<compile_context>
chip_gen: v7x
topology: tpu7x:2x2x1
jax: 0.10.2.dev20260603
libtpu: 0.0.44.dev20260713+nightly
codegen_flags: <defaults>
</compile_context>

<pallas_src>
import functools

import jax
import jax.numpy as jnp
from jax import lax
from jax.experimental import pallas as pl
from jax.experimental.pallas import tpu as pltpu
from jax.experimental.pallas import tpu_sc as plsc

_N = 10000
_E = 320000
_D = 128
_DOUT = 47

_NC = 2
_NS = 16
_NW = _NC * _NS
_NPAD = 10240
_STRIPE = _NPAD // _NS
_CH = 80
_EPW = _E // _NW
_NIT = _EPW // _CH
_ZR = 64


def _make_agg(with_cnt):
    mesh = plsc.VectorSubcoreMesh(core_axis_name="c", subcore_axis_name="s")
    outs = [jax.ShapeDtypeStruct((_NC, _NPAD, _D), jnp.float32)]
    scratch = [
        pltpu.VMEM((_CH,), jnp.int32),
        pltpu.VMEM((_CH,), jnp.int32),
        pltpu.VMEM((_CH, _D), jnp.float32),
        pltpu.VMEM((_ZR, _D), jnp.float32),
        pltpu.VMEM_SHARED((_NPAD, _D), jnp.float32),
    ]
    if with_cnt:
        outs.append(jax.ShapeDtypeStruct((_NC, _NPAD), jnp.float32))
        scratch += [
            pltpu.VMEM((_CH,), jnp.float32),
            pltpu.VMEM((_STRIPE,), jnp.float32),
            pltpu.VMEM_SHARED((_NPAD,), jnp.float32),
        ]

    def body(x_hbm, src_hbm, dst_hbm, *rest):
        if with_cnt:
            (out_hbm, cnt_hbm, idx_s, idx_d, rows, zbuf,
             acc, ones, zcnt, acc_cnt) = rest
        else:
            out_hbm, idx_s, idx_d, rows, zbuf, acc = rest
        cid = lax.axis_index("c")
        sid = lax.axis_index("s")
        row0 = sid * _STRIPE

        @pl.loop(0, _ZR)
        def _(r):
            @pl.loop(0, _D, step=16)
            def _(c):
                zbuf[r, pl.ds(c, 16)] = jnp.zeros((16,), jnp.float32)

        @pl.loop(0, _STRIPE, step=_ZR)
        def _(r0):
            pltpu.sync_copy(zbuf, acc.at[pl.ds(row0 + r0, _ZR)])

        if with_cnt:
            @pl.loop(0, _CH, step=16)
            def _(i):
                ones[pl.ds(i, 16)] = jnp.ones((16,), jnp.float32)

            @pl.loop(0, _STRIPE, step=16)
            def _(i):
                zcnt[pl.ds(i, 16)] = jnp.zeros((16,), jnp.float32)

            pltpu.sync_copy(zcnt, acc_cnt.at[pl.ds(row0, _STRIPE)])

        plsc.subcore_barrier()

        wid = sid * _NC + cid
        base = wid * _EPW

        @pl.loop(0, _NIT)
        def _(i):
            off = base + i * _CH
            pltpu.sync_copy(src_hbm.at[pl.ds(off, _CH)], idx_s)
            pltpu.sync_copy(dst_hbm.at[pl.ds(off, _CH)], idx_d)
            pltpu.sync_copy(x_hbm.at[idx_s], rows)
            pltpu.sync_copy(rows, acc.at[idx_d], add=True)
            if with_cnt:
                pltpu.sync_copy(ones, acc_cnt.at[idx_d], add=True)

        plsc.subcore_barrier()

        pltpu.sync_copy(acc.at[pl.ds(row0, _STRIPE)],
                        out_hbm.at[cid, pl.ds(row0, _STRIPE)])
        if with_cnt:
            pltpu.sync_copy(acc_cnt.at[pl.ds(row0, _STRIPE)],
                            cnt_hbm.at[cid, pl.ds(row0, _STRIPE)])

    return pl.kernel(body, out_type=outs if with_cnt else outs[0],
                     mesh=mesh, scratch_types=scratch)


_agg_cnt = _make_agg(True)
_agg = _make_agg(False)

_R = 1000


def _combine_body(p_ref, c_ref, h_ref, wl_ref, wr_ref, b_ref, o_ref, *, act):
    denom = jnp.maximum(c_ref[0] + c_ref[1], 1.0)
    mean = (p_ref[0] + p_ref[1]) / denom
    y = jnp.dot(mean, wl_ref[...], preferred_element_type=jnp.float32)
    y = y + jnp.dot(h_ref[...], wr_ref[...], preferred_element_type=jnp.float32)
    y = y + b_ref[...]
    if act == "relu":
        o_ref[...] = jnp.maximum(y, 0.0)
    else:
        col = lax.broadcasted_iota(jnp.int32, y.shape, 1)
        mask = col < _DOUT
        ym = jnp.where(mask, y, -1e30)
        m = jnp.max(ym, axis=1, keepdims=True)
        e = jnp.where(mask, jnp.exp(ym - m), 0.0)
        s = jnp.sum(e, axis=1, keepdims=True)
        o_ref[...] = (ym - m - jnp.log(s))[:, :_DOUT]


def _make_combine(act):
    dout = _D if act == "relu" else _DOUT
    return pl.pallas_call(
        functools.partial(_combine_body, act=act),
        grid=(_N // _R,),
        in_specs=[
            pl.BlockSpec((_NC, _R, _D), lambda i: (0, i, 0)),
            pl.BlockSpec((_NC, _R, 1), lambda i: (0, i, 0)),
            pl.BlockSpec((_R, _D), lambda i: (i, 0)),
            pl.BlockSpec((_D, _D), lambda i: (0, 0)),
            pl.BlockSpec((_D, _D), lambda i: (0, 0)),
            pl.BlockSpec((1, _D), lambda i: (0, 0)),
        ],
        out_specs=pl.BlockSpec((_R, dout), lambda i: (i, 0)),
        out_shape=jax.ShapeDtypeStruct((_N, dout), jnp.float32),
    )


_combine_relu = _make_combine("relu")
_combine_final = _make_combine("logsoftmax")


def kernel(x, edge_index, Wl0, Wr0, b0, Wl1, Wr1, b1, Wl2, Wr2, b2):
    src = edge_index[0]
    dst = edge_index[1]
    wl0, wr0 = Wl0.T, Wr0.T
    wl1, wr1 = Wl1.T, Wr1.T
    wl2 = jnp.zeros((_D, _D), jnp.float32).at[:, :_DOUT].set(Wl2.T)
    wr2 = jnp.zeros((_D, _D), jnp.float32).at[:, :_DOUT].set(Wr2.T)
    b0r = b0.reshape(1, _D)
    b1r = b1.reshape(1, _D)
    b2r = jnp.zeros((1, _D), jnp.float32).at[0, :_DOUT].set(b2)

    p0, cnt2 = _agg_cnt(x, src, dst)
    cnt2 = cnt2.reshape(_NC, _NPAD, 1)
    h1 = _combine_relu(p0, cnt2, x, wl0, wr0, b0r)
    p1 = _agg(h1, src, dst)
    h2 = _combine_relu(p1, cnt2, h1, wl1, wr1, b1r)
    p2 = _agg(h2, src, dst)
    return _combine_final(p2, cnt2, h2, wl2, wr2, b2r)

# --- scband reference (transcript-rebuilt; emitter-appended) ---
"""Pipeline reference for scband-sage-mini-39711267619348 (READ-ONLY COPY).

The authoritative reference and input builder live on the scoring server;
editing this copy changes nothing except your own understanding.
"""

import jax, jax.numpy as jnp
import numpy as np

N = 10000
E = 320000
D_IN = 128
D_HID = 128
D_OUT = 47


def setup_inputs(seed: int = 0) -> dict:
    key = jax.random.key(seed)
    ks = jax.random.split(key, 16)
    inp = {}
    inp["x"] = jax.random.normal(ks[0], (N, D_IN), dtype=jnp.float32)
    inp["edge_index"] = jax.random.randint(ks[1], (2, E), 0, N, dtype=jnp.int32)
    dims = [(D_IN, D_HID), (D_HID, D_HID), (D_HID, D_OUT)]
    for i, (din, dout) in enumerate(dims):
        s = 1.0 / np.sqrt(din)
        inp[f"Wl{i}"] = jax.random.normal(ks[2 + 3 * i], (dout, din), dtype=jnp.float32) * s
        inp[f"Wr{i}"] = jax.random.normal(ks[3 + 3 * i], (dout, din), dtype=jnp.float32) * s
        inp[f"b{i}"] = jnp.zeros((dout,), dtype=jnp.float32)
    return inp


def _sage_conv(x, src, dst, Wl, Wr, b):
    # PyG SAGEConv with aggr='mean': out = lin_l(mean_agg(x_j)) + lin_r(x_i)
    msgs = jnp.take(x, src, axis=0)
    agg = jax.ops.segment_sum(msgs, dst, num_segments=N)
    cnt = jax.ops.segment_sum(jnp.ones((src.shape[0],), jnp.float32), dst, num_segments=N)
    mean = agg / jnp.maximum(cnt, 1.0)[:, None]
    return mean @ Wl.T + b + x @ Wr.T


def reference(x, edge_index, Wl0, Wr0, b0, Wl1, Wr1, b1, Wl2, Wr2, b2):
    src = edge_index[0]
    dst = edge_index[1]
    h = jax.nn.relu(_sage_conv(x, src, dst, Wl0, Wr0, b0))
    # dropout is identity in eval mode
    h = jax.nn.relu(_sage_conv(h, src, dst, Wl1, Wr1, b1))
    h = _sage_conv(h, src, dst, Wl2, Wr2, b2)
    return jax.nn.log_softmax(h, axis=-1)

if __name__ == "__main__":
    import jax
    _d = setup_inputs()
    print(jax.jit(kernel)(*tuple(_d.values())))

</pallas_src>

<mosaic_0001>
#map = affine_map<(d0, d1) -> (0, 0)>
#map1 = affine_map<(d0, d1) -> (0)>
#map2 = affine_map<(d0, d1) -> (0, 0, 0)>
module attributes {stable_mosaic.version = 14 : i64} {
  func.func @body(%arg0: i32, %arg1: i32, %arg2: memref<10000x128xf32, #tpu.memory_space<hbm>>, %arg3: memref<320000xi32, #tpu.memory_space<hbm>>, %arg4: memref<320000xi32, #tpu.memory_space<hbm>>, %arg5: memref<2x10240x128xf32, #tpu.memory_space<hbm>>, %arg6: memref<80xi32, #tpu.memory_space<vmem>>, %arg7: memref<80xi32, #tpu.memory_space<vmem>>, %arg8: memref<80x128xf32, #tpu.memory_space<vmem>>, %arg9: memref<64x128xf32, #tpu.memory_space<vmem>>, %arg10: memref<10240x128xf32, #tpu.memory_space<vmem_shared>>) attributes {dimension_semantics = [#tpu.dimension_semantics<core_parallel>, #tpu.dimension_semantics<subcore_parallel>], iteration_bounds = array<i64: 2, 16>, scalar_prefetch = 0 : i64, scratch_operands = 5 : i64, tpu.core_type = #tpu.core_type<sc_vector_subcore>, window_params = [{transform_indices = #map}, {transform_indices = #map1}, {transform_indices = #map1}, {transform_indices = #map2}]} {
    %mul3A = arith.constant 640 : i32
    %mul3A_0 = arith.muli %arg1, %mul3A : i32
    %scan3A = arith.constant 0 : i32
    %scan3A_1 = arith.constant 64 : i32
    %scan3A_2 = arith.addi %scan3A, %scan3A_1 : i32
    %scan3A_3 = arith.constant 1 : i32
    scf.for %scan3A_20 = %scan3A to %scan3A_2 step %scan3A_3  : i32 {
      %mul3A_21 = arith.constant 1 : i32
      %mul3A_22 = arith.muli %scan3A_20, %mul3A_21 : i32
      %add3A_23 = arith.constant 0 : i32
      %add3A_24 = arith.addi %add3A_23, %mul3A_22 : i32
      %scan3A_25 = arith.constant 0 : i32
      %scan3A_26 = arith.constant 8 : i32
      %scan3A_27 = arith.addi %scan3A_25, %scan3A_26 : i32
      %scan3A_28 = arith.constant 1 : i32
      scf.for %scan3A_30 = %scan3A_25 to %scan3A_27 step %scan3A_28  : i32 {
        %mul3A_31 = arith.constant 16 : i32
        %mul3A_32 = arith.muli %scan3A_30, %mul3A_31 : i32
        %add3A_33 = arith.constant 0 : i32
        %add3A_34 = arith.addi %add3A_33, %mul3A_32 : i32
        %broadcast_in_dim3A = arith.constant 0.000000e+00 : f32
        %broadcast_in_dim3A_35 = vector.broadcast %broadcast_in_dim3A : f32 to vector<16xf32>
        %swap3A = arith.index_cast %add3A_24 : i32 to index
        %swap3A_36 = arith.index_cast %add3A_34 : i32 to index
        %swap3A_37 = tpu.vector_load %arg9[%swap3A, %swap3A_36] {strides = array<i32>} : memref<64x128xf32, #tpu.memory_space<vmem>>, vector<1x16xf32>,
        %swap3A_38 = vector.shape_cast %swap3A_37 : vector<1x16xf32> to vector<16xf32>
        %swap3A_39 = vector.shape_cast %broadcast_in_dim3A_35 : vector<16xf32> to vector<1x16xf32>
        tpu.vector_store %arg9[%swap3A, %swap3A_36], %swap3A_39 {strides = array<i32>} : memref<64x128xf32, #tpu.memory_space<vmem>>, vector<1x16xf32>,
      }
      %scan3A_29 = arith.constant 8 : i32
    }
    %scan3A_4 = arith.constant 64 : i32
    %scan3A_5 = arith.constant 0 : i32
    %scan3A_6 = arith.constant 10 : i32
    %scan3A_7 = arith.addi %scan3A_5, %scan3A_6 : i32
    %scan3A_8 = arith.constant 1 : i32
    scf.for %scan3A_20 = %scan3A_5 to %scan3A_7 step %scan3A_8  : i32 {
      %mul3A_21 = arith.constant 64 : i32
      %mul3A_22 = arith.muli %scan3A_20, %mul3A_21 : i32
      %add3A_23 = arith.constant 0 : i32
      %add3A_24 = arith.addi %add3A_23, %mul3A_22 : i32
      %add3A_25 = arith.addi %mul3A_0, %add3A_24 : i32
      "tpu.region"() ({
        %run_scoped3A = tpu.sem_alloc : memref<!tpu.dma_semaphore, #tpu.memory_space<semaphore_mem>>
        %dma_start3A = arith.constant 0 : i32
        %dma_start3A_26 = tpu.memref_slice %arg10[%add3A_25, %dma_start3A] : memref<10240x128xf32, #tpu.memory_space<vmem_shared>> -> memref<64x128xf32, #tpu.memory_space<vmem_shared>>
        %dma_start3A_27 = arith.constant 0 : i32
        %dma_start3A_28 = tpu.memref_slice %arg10[%add3A_25, %dma_start3A_27] : memref<10240x128xf32, #tpu.memory_space<vmem_shared>> -> memref<64x128xf32, #tpu.memory_space<vmem_shared>>
        tpu.enqueue_dma source(%arg9 : memref<64x128xf32, #tpu.memory_space<vmem>>) target(%dma_start3A_28 : memref<64x128xf32, #tpu.memory_space<vmem_shared>>) target_semaphore(%run_scoped3A : memref<!tpu.dma_semaphore, #tpu.memory_space<semaphore_mem>>)
        %dma_wait3A = arith.constant 0 : i32
        %dma_wait3A_29 = tpu.memref_slice %arg10[%add3A_25, %dma_wait3A] : memref<10240x128xf32, #tpu.memory_space<vmem_shared>> -> memref<64x128xf32, #tpu.memory_space<vmem_shared>>
        %dma_wait3A_30 = arith.constant 0 : i32
        %dma_wait3A_31 = tpu.memref_slice %arg10[%add3A_25, %dma_wait3A_30] : memref<10240x128xf32, #tpu.memory_space<vmem_shared>> -> memref<64x128xf32, #tpu.memory_space<vmem_shared>>
        tpu.wait_dma2 semaphore(%run_scoped3A : memref<!tpu.dma_semaphore, #tpu.memory_space<semaphore_mem>>) src(%arg9 : memref<64x128xf32, #tpu.memory_space<vmem>>) dst(%dma_wait3A_31 : memref<64x128xf32, #tpu.memory_space<vmem_shared>>)
        tpu.yield
      }) : () -> ()
    }
    %scan3A_9 = arith.constant 10 : i32
    %barrier3A = arith.constant 0 : index
    tpu.barrier barrier_id(%barrier3A)
    %mul3A_10 = arith.constant 2 : i32
    %mul3A_11 = arith.muli %arg1, %mul3A_10 : i32
    %add3A = arith.addi %mul3A_11, %arg0 : i32
    %mul3A_12 = arith.constant 10000 : i32
    %mul3A_13 = arith.muli %add3A, %mul3A_12 : i32
    %scan3A_14 = arith.constant 0 : i32
    %scan3A_15 = arith.constant 125 : i32
    %scan3A_16 = arith.addi %scan3A_14, %scan3A_15 : i32
    %scan3A_17 = arith.constant 1 : i32
    scf.for %scan3A_20 = %scan3A_14 to %scan3A_16 step %scan3A_17  : i32 {
      %mul3A_21 = arith.constant 1 : i32
      %mul3A_22 = arith.muli %scan3A_20, %mul3A_21 : i32
      %add3A_23 = arith.constant 0 : i32
      %add3A_24 = arith.addi %add3A_23, %mul3A_22 : i32
      %mul3A_25 = arith.constant 80 : i32
      %mul3A_26 = arith.muli %add3A_24, %mul3A_25 : i32
      %add3A_27 = arith.addi %mul3A_13, %mul3A_26 : i32
      "tpu.region"() ({
        %run_scoped3A = tpu.sem_alloc : memref<!tpu.dma_semaphore, #tpu.memory_space<semaphore_mem>>
        %dma_start3A = tpu.memref_slice %arg3[%add3A_27] : memref<320000xi32, #tpu.memory_space<hbm>> -> memref<80xi32, #tpu.memory_space<hbm>>
        %dma_start3A_28 = tpu.memref_slice %arg3[%add3A_27] : memref<320000xi32, #tpu.memory_space<hbm>> -> memref<80xi32, #tpu.memory_space<hbm>>
        tpu.enqueue_dma source(%dma_start3A_28 : memref<80xi32, #tpu.memory_space<hbm>>) target(%arg6 : memref<80xi32, #tpu.memory_space<vmem>>) target_semaphore(%run_scoped3A : memref<!tpu.dma_semaphore, #tpu.memory_space<semaphore_mem>>)
        %dma_wait3A = tpu.memref_slice %arg3[%add3A_27] : memref<320000xi32, #tpu.memory_space<hbm>> -> memref<80xi32, #tpu.memory_space<hbm>>
        %dma_wait3A_29 = tpu.memref_slice %arg3[%add3A_27] : memref<320000xi32, #tpu.memory_space<hbm>> -> memref<80xi32, #tpu.memory_space<hbm>>
        tpu.wait_dma2 semaphore(%run_scoped3A : memref<!tpu.dma_semaphore, #tpu.memory_space<semaphore_mem>>) src(%dma_wait3A_29 : memref<80xi32, #tpu.memory_space<hbm>>) dst(%arg6 : memref<80xi32, #tpu.memory_space<vmem>>)
        tpu.yield
      }) : () -> ()
      "tpu.region"() ({
        %run_scoped3A = tpu.sem_alloc : memref<!tpu.dma_semaphore, #tpu.memory_space<semaphore_mem>>
        %dma_start3A = tpu.memref_slice %arg4[%add3A_27] : memref<320000xi32, #tpu.memory_space<hbm>> -> memref<80xi32, #tpu.memory_space<hbm>>
        %dma_start3A_28 = tpu.memref_slice %arg4[%add3A_27] : memref<320000xi32, #tpu.memory_space<hbm>> -> memref<80xi32, #tpu.memory_space<hbm>>
        tpu.enqueue_dma source(%dma_start3A_28 : memref<80xi32, #tpu.memory_space<hbm>>) target(%arg7 : memref<80xi32, #tpu.memory_space<vmem>>) target_semaphore(%run_scoped3A : memref<!tpu.dma_semaphore, #tpu.memory_space<semaphore_mem>>)
        %dma_wait3A = tpu.memref_slice %arg4[%add3A_27] : memref<320000xi32, #tpu.memory_space<hbm>> -> memref<80xi32, #tpu.memory_space<hbm>>
        %dma_wait3A_29 = tpu.memref_slice %arg4[%add3A_27] : memref<320000xi32, #tpu.memory_space<hbm>> -> memref<80xi32, #tpu.memory_space<hbm>>
        tpu.wait_dma2 semaphore(%run_scoped3A : memref<!tpu.dma_semaphore, #tpu.memory_space<semaphore_mem>>) src(%dma_wait3A_29 : memref<80xi32, #tpu.memory_space<hbm>>) dst(%arg7 : memref<80xi32, #tpu.memory_space<vmem>>)
        tpu.yield
      }) : () -> ()
      "tpu.region"() ({
        %run_scoped3A = tpu.sem_alloc : memref<!tpu.dma_semaphore, #tpu.memory_space<semaphore_mem>>
        %dma_start3A = arith.constant 0 : i32
        %dma_start3A_28 = arith.constant 0 : i32
        %dma_start3A_29 = tpu.memref_slice %arg2[%dma_start3A, %dma_start3A_28] : memref<10000x128xf32, #tpu.memory_space<hbm>> -> memref<10000x128xf32, #tpu.memory_space<hbm>>
        tpu.enqueue_indirect_dma source(%dma_start3A_29 : memref<10000x128xf32, #tpu.memory_space<hbm>>) target(%arg8 : memref<80x128xf32, #tpu.memory_space<vmem>>) offsets(%arg6 : memref<80xi32, #tpu.memory_space<vmem>>) semaphore(%run_scoped3A : memref<!tpu.dma_semaphore, #tpu.memory_space<semaphore_mem>>)
        %dma_wait3A = arith.constant 0 : i32
        %dma_wait3A_30 = arith.constant 0 : i32
        %dma_wait3A_31 = tpu.memref_slice %arg2[%dma_wait3A, %dma_wait3A_30] : memref<10000x128xf32, #tpu.memory_space<hbm>> -> memref<10000x128xf32, #tpu.memory_space<hbm>>
        tpu.wait_indirect_dma semaphore(%run_scoped3A : memref<!tpu.dma_semaphore, #tpu.memory_space<semaphore_mem>>) src(%dma_wait3A_31 : memref<10000x128xf32, #tpu.memory_space<hbm>>) dst(%arg8 : memref<80x128xf32, #tpu.memory_space<vmem>>)
        tpu.yield
      }) : () -> ()
      "tpu.region"() ({
        %run_scoped3A = tpu.sem_alloc : memref<!tpu.dma_semaphore, #tpu.memory_space<semaphore_mem>>
        %dma_start3A = arith.constant 0 : i32
        %dma_start3A_28 = arith.constant 0 : i32
        %dma_start3A_29 = tpu.memref_slice %arg10[%dma_start3A, %dma_start3A_28] : memref<10240x128xf32, #tpu.memory_space<vmem_shared>> -> memref<10240x128xf32, #tpu.memory_space<vmem_shared>>
        tpu.enqueue_indirect_dma source(%arg8 : memref<80x128xf32, #tpu.memory_space<vmem>>) target(%dma_start3A_29 : memref<10240x128xf32, #tpu.memory_space<vmem_shared>>) offsets(%arg7 : memref<80xi32, #tpu.memory_space<vmem>>) semaphore(%run_scoped3A : memref<!tpu.dma_semaphore, #tpu.memory_space<semaphore_mem>>) {add = true}
        %dma_wait3A = arith.constant 0 : i32
        %dma_wait3A_30 = arith.constant 0 : i32
        %dma_wait3A_31 = tpu.memref_slice %arg10[%dma_wait3A, %dma_wait3A_30] : memref<10240x128xf32, #tpu.memory_space<vmem_shared>> -> memref<10240x128xf32, #tpu.memory_space<vmem_shared>>
        tpu.wait_indirect_dma semaphore(%run_scoped3A : memref<!tpu.dma_semaphore, #tpu.memory_space<semaphore_mem>>) src(%arg8 : memref<80x128xf32, #tpu.memory_space<vmem>>) dst(%dma_wait3A_31 : memref<10240x128xf32, #tpu.memory_space<vmem_shared>>)
        tpu.yield
      }) : () -> ()
    }
    %scan3A_18 = arith.constant 125 : i32
    %barrier3A_19 = arith.constant 0 : index
    tpu.barrier barrier_id(%barrier3A_19)
    "tpu.region"() ({
      %run_scoped3A = tpu.sem_alloc : memref<!tpu.dma_semaphore, #tpu.memory_space<semaphore_mem>>
      %dma_start3A = arith.constant 0 : i32
      %dma_start3A_20 = tpu.memref_slice %arg5[%arg0, %mul3A_0, %dma_start3A] : memref<2x10240x128xf32, #tpu.memory_space<hbm>> -> memref<1x640x128xf32, #tpu.memory_space<hbm>>
      %dma_start3A_21 = tpu.memref_squeeze %dma_start3A_20 : memref<1x640x128xf32, #tpu.memory_space<hbm>> -> memref<640x128xf32, #tpu.memory_space<hbm>>
      %dma_start3A_22 = arith.constant 0 : i32
      %dma_start3A_23 = tpu.memref_slice %arg10[%mul3A_0, %dma_start3A_22] : memref<10240x128xf32, #tpu.memory_space<vmem_shared>> -> memref<640x128xf32, #tpu.memory_space<vmem_shared>>
      tpu.enqueue_dma source(%dma_start3A_23 : memref<640x128xf32, #tpu.memory_space<vmem_shared>>) target(%dma_start3A_21 : memref<640x128xf32, #tpu.memory_space<hbm>>) target_semaphore(%run_scoped3A : memref<!tpu.dma_semaphore, #tpu.memory_space<semaphore_mem>>)
      %dma_wait3A = arith.constant 0 : i32
      %dma_wait3A_24 = tpu.memref_slice %arg5[%arg0, %mul3A_0, %dma_wait3A] : memref<2x10240x128xf32, #tpu.memory_space<hbm>> -> memref<1x640x128xf32, #tpu.memory_space<hbm>>
      %dma_wait3A_25 = tpu.memref_squeeze %dma_wait3A_24 : memref<1x640x128xf32, #tpu.memory_space<hbm>> -> memref<640x128xf32, #tpu.memory_space<hbm>>
      %dma_wait3A_26 = arith.constant 0 : i32
      %dma_wait3A_27 = tpu.memref_slice %arg10[%mul3A_0, %dma_wait3A_26] : memref<10240x128xf32, #tpu.memory_space<vmem_shared>> -> memref<640x128xf32, #tpu.memory_space<vmem_shared>>
      tpu.wait_dma2 semaphore(%run_scoped3A : memref<!tpu.dma_semaphore, #tpu.memory_space<semaphore_mem>>) src(%dma_wait3A_27 : memref<640x128xf32, #tpu.memory_space<vmem_shared>>) dst(%dma_wait3A_25 : memref<640x128xf32, #tpu.memory_space<hbm>>)
      tpu.yield
    }) : () -> ()
    return
  }
}

#map = affine_map<(d0, d1) -> (0, 0)>
#map1 = affine_map<(d0, d1) -> (0)>
#map2 = affine_map<(d0, d1) -> (0, 0, 0)>
module attributes {stable_mosaic.version = 14 : i64} {
  func.func @body(%arg0: i32, %arg1: i32, %arg2: memref<10000x128xf32, #tpu.memory_space<hbm>>, %arg3: memref<320000xi32, #tpu.memory_space<hbm>>, %arg4: memref<320000xi32, #tpu.memory_space<hbm>>, %arg5: memref<2x10240x128xf32, #tpu.memory_space<hbm>>, %arg6: memref<2x10240xf32, #tpu.memory_space<hbm>>, %arg7: memref<80xi32, #tpu.memory_space<vmem>>, %arg8: memref<80xi32, #tpu.memory_space<vmem>>, %arg9: memref<80x128xf32, #tpu.memory_space<vmem>>, %arg10: memref<64x128xf32, #tpu.memory_space<vmem>>, %arg11: memref<10240x128xf32, #tpu.memory_space<vmem_shared>>, %arg12: memref<80xf32, #tpu.memory_space<vmem>>, %arg13: memref<640xf32, #tpu.memory_space<vmem>>, %arg14: memref<10240xf32, #tpu.memory_space<vmem_shared>>) attributes {dimension_semantics = [#tpu.dimension_semantics<core_parallel>, #tpu.dimension_semantics<subcore_parallel>], iteration_bounds = array<i64: 2, 16>, scalar_prefetch = 0 : i64, scratch_operands = 8 : i64, tpu.core_type = #tpu.core_type<sc_vector_subcore>, window_params = [{transform_indices = #map}, {transform_indices = #map1}, {transform_indices = #map1}, {transform_indices = #map2}, {transform_indices = #map}]} {
    %mul3A = arith.constant 640 : i32
    %mul3A_0 = arith.muli %arg1, %mul3A : i32
    %scan3A = arith.constant 0 : i32
    %scan3A_1 = arith.constant 64 : i32
    %scan3A_2 = arith.addi %scan3A, %scan3A_1 : i32
    %scan3A_3 = arith.constant 1 : i32
    scf.for %scan3A_30 = %scan3A to %scan3A_2 step %scan3A_3  : i32 {
      %mul3A_31 = arith.constant 1 : i32
      %mul3A_32 = arith.muli %scan3A_30, %mul3A_31 : i32
      %add3A_33 = arith.constant 0 : i32
      %add3A_34 = arith.addi %add3A_33, %mul3A_32 : i32
      %scan3A_35 = arith.constant 0 : i32
      %scan3A_36 = arith.constant 8 : i32
      %scan3A_37 = arith.addi %scan3A_35, %scan3A_36 : i32
      %scan3A_38 = arith.constant 1 : i32
      scf.for %scan3A_40 = %scan3A_35 to %scan3A_37 step %scan3A_38  : i32 {
        %mul3A_41 = arith.constant 16 : i32
        %mul3A_42 = arith.muli %scan3A_40, %mul3A_41 : i32
        %add3A_43 = arith.constant 0 : i32
        %add3A_44 = arith.addi %add3A_43, %mul3A_42 : i32
        %broadcast_in_dim3A = arith.constant 0.000000e+00 : f32
        %broadcast_in_dim3A_45 = vector.broadcast %broadcast_in_dim3A : f32 to vector<16xf32>
        %swap3A = arith.index_cast %add3A_34 : i32 to index
        %swap3A_46 = arith.index_cast %add3A_44 : i32 to index
        %swap3A_47 = tpu.vector_load %arg10[%swap3A, %swap3A_46] {strides = array<i32>} : memref<64x128xf32, #tpu.memory_space<vmem>>, vector<1x16xf32>,
        %swap3A_48 = vector.shape_cast %swap3A_47 : vector<1x16xf32> to vector<16xf32>
        %swap3A_49 = vector.shape_cast %broadcast_in_dim3A_45 : vector<16xf32> to vector<1x16xf32>
        tpu.vector_store %arg10[%swap3A, %swap3A_46], %swap3A_49 {strides = array<i32>} : memref<64x128xf32, #tpu.memory_space<vmem>>, vector<1x16xf32>,
      }
      %scan3A_39 = arith.constant 8 : i32
    }
    %scan3A_4 = arith.constant 64 : i32
    %scan3A_5 = arith.constant 0 : i32
    %scan3A_6 = arith.constant 10 : i32
    %scan3A_7 = arith.addi %scan3A_5, %scan3A_6 : i32
    %scan3A_8 = arith.constant 1 : i32
    scf.for %scan3A_30 = %scan3A_5 to %scan3A_7 step %scan3A_8  : i32 {
      %mul3A_31 = arith.constant 64 : i32
      %mul3A_32 = arith.muli %scan3A_30, %mul3A_31 : i32
      %add3A_33 = arith.constant 0 : i32
      %add3A_34 = arith.addi %add3A_33, %mul3A_32 : i32
      %add3A_35 = arith.addi %mul3A_0, %add3A_34 : i32
      "tpu.region"() ({
        %run_scoped3A = tpu.sem_alloc : memref<!tpu.dma_semaphore, #tpu.memory_space<semaphore_mem>>
        %dma_start3A = arith.constant 0 : i32
        %dma_start3A_36 = tpu.memref_slice %arg11[%add3A_35, %dma_start3A] : memref<10240x128xf32, #tpu.memory_space<vmem_shared>> -> memref<64x128xf32, #tpu.memory_space<vmem_shared>>
        %dma_start3A_37 = arith.constant 0 : i32
        %dma_start3A_38 = tpu.memref_slice %arg11[%add3A_35, %dma_start3A_37] : memref<10240x128xf32, #tpu.memory_space<vmem_shared>> -> memref<64x128xf32, #tpu.memory_space<vmem_shared>>
        tpu.enqueue_dma source(%arg10 : memref<64x128xf32, #tpu.memory_space<vmem>>) target(%dma_start3A_38 : memref<64x128xf32, #tpu.memory_space<vmem_shared>>) target_semaphore(%run_scoped3A : memref<!tpu.dma_semaphore, #tpu.memory_space<semaphore_mem>>)
        %dma_wait3A = arith.constant 0 : i32
        %dma_wait3A_39 = tpu.memref_slice %arg11[%add3A_35, %dma_wait3A] : memref<10240x128xf32, #tpu.memory_space<vmem_shared>> -> memref<64x128xf32, #tpu.memory_space<vmem_shared>>
        %dma_wait3A_40 = arith.constant 0 : i32
        %dma_wait3A_41 = tpu.memref_slice %arg11[%add3A_35, %dma_wait3A_40] : memref<10240x128xf32, #tpu.memory_space<vmem_shared>> -> memref<64x128xf32, #tpu.memory_space<vmem_shared>>
        tpu.wait_dma2 semaphore(%run_scoped3A : memref<!tpu.dma_semaphore, #tpu.memory_space<semaphore_mem>>) src(%arg10 : memref<64x128xf32, #tpu.memory_space<vmem>>) dst(%dma_wait3A_41 : memref<64x128xf32, #tpu.memory_space<vmem_shared>>)
        tpu.yield
      }) : () -> ()
    }
    %scan3A_9 = arith.constant 10 : i32
    %scan3A_10 = arith.constant 0 : i32
    %scan3A_11 = arith.constant 5 : i32
    %scan3A_12 = arith.addi %scan3A_10, %scan3A_11 : i32
    %scan3A_13 = arith.constant 1 : i32
    scf.for %scan3A_30 = %scan3A_10 to %scan3A_12 step %scan3A_13  : i32 {
      %mul3A_31 = arith.constant 16 : i32
      %mul3A_32 = arith.muli %scan3A_30, %mul3A_31 : i32
      %add3A_33 = arith.constant 0 : i32
      %add3A_34 = arith.addi %add3A_33, %mul3A_32 : i32
      %broadcast_in_dim3A = arith.constant 1.000000e+00 : f32
      %broadcast_in_dim3A_35 = vector.broadcast %broadcast_in_dim3A : f32 to vector<16xf32>
      %swap3A = arith.index_cast %add3A_34 : i32 to index
      %swap3A_36 = tpu.vector_load %arg12[%swap3A] {strides = array<i32>} : memref<80xf32, #tpu.memory_space<vmem>>, vector<16xf32>,
      %swap3A_37 = vector.shape_cast %swap3A_36 : vector<16xf32> to vector<16xf32>
      %swap3A_38 = vector.shape_cast %broadcast_in_dim3A_35 : vector<16xf32> to vector<16xf32>
      tpu.vector_store %arg12[%swap3A], %swap3A_38 {strides = array<i32>} : memref<80xf32, #tpu.memory_space<vmem>>, vector<16xf32>,
    }
    %scan3A_14 = arith.constant 5 : i32
    %scan3A_15 = arith.constant 0 : i32
    %scan3A_16 = arith.constant 40 : i32
    %scan3A_17 = arith.addi %scan3A_15, %scan3A_16 : i32
    %scan3A_18 = arith.constant 1 : i32
    scf.for %scan3A_30 = %scan3A_15 to %scan3A_17 step %scan3A_18  : i32 {
      %mul3A_31 = arith.constant 16 : i32
      %mul3A_32 = arith.muli %scan3A_30, %mul3A_31 : i32
      %add3A_33 = arith.constant 0 : i32
      %add3A_34 = arith.addi %add3A_33, %mul3A_32 : i32
      %broadcast_in_dim3A = arith.constant 0.000000e+00 : f32
      %broadcast_in_dim3A_35 = vector.broadcast %broadcast_in_dim3A : f32 to vector<16xf32>
      %swap3A = arith.index_cast %add3A_34 : i32 to index
      %swap3A_36 = tpu.vector_load %arg13[%swap3A] {strides = array<i32>} : memref<640xf32, #tpu.memory_space<vmem>>, vector<16xf32>,
      %swap3A_37 = vector.shape_cast %swap3A_36 : vector<16xf32> to vector<16xf32>
      %swap3A_38 = vector.shape_cast %broadcast_in_dim3A_35 : vector<16xf32> to vector<16xf32>
      tpu.vector_store %arg13[%swap3A], %swap3A_38 {strides = array<i32>} : memref<640xf32, #tpu.memory_space<vmem>>, vector<16xf32>,
    }
    %scan3A_19 = arith.constant 40 : i32
    "tpu.region"() ({
      %run_scoped3A = tpu.sem_alloc : memref<!tpu.dma_semaphore, #tpu.memory_space<semaphore_mem>>
      %dma_start3A = tpu.memref_slice %arg14[%mul3A_0] : memref<10240xf32, #tpu.memory_space<vmem_shared>> -> memref<640xf32, #tpu.memory_space<vmem_shared>>
      %dma_start3A_30 = tpu.memref_slice %arg14[%mul3A_0] : memref<10240xf32, #tpu.memory_space<vmem_shared>> -> memref<640xf32, #tpu.memory_space<vmem_shared>>
      tpu.enqueue_dma source(%arg13 : memref<640xf32, #tpu.memory_space<vmem>>) target(%dma_start3A_30 : memref<640xf32, #tpu.memory_space<vmem_shared>>) target_semaphore(%run_scoped3A : memref<!tpu.dma_semaphore, #tpu.memory_space<semaphore_mem>>)
      %dma_wait3A = tpu.memref_slice %arg14[%mul3A_0] : memref<10240xf32, #tpu.memory_space<vmem_shared>> -> memref<640xf32, #tpu.memory_space<vmem_shared>>
      %dma_wait3A_31 = tpu.memref_slice %arg14[%mul3A_0] : memref<10240xf32, #tpu.memory_space<vmem_shared>> -> memref<640xf32, #tpu.memory_space<vmem_shared>>
      tpu.wait_dma2 semaphore(%run_scoped3A : memref<!tpu.dma_semaphore, #tpu.memory_space<semaphore_mem>>) src(%arg13 : memref<640xf32, #tpu.memory_space<vmem>>) dst(%dma_wait3A_31 : memref<640xf32, #tpu.memory_space<vmem_shared>>)
      tpu.yield
    }) : () -> ()
    %barrier3A = arith.constant 0 : index
    tpu.barrier barrier_id(%barrier3A)
    %mul3A_20 = arith.constant 2 : i32
    %mul3A_21 = arith.muli %arg1, %mul3A_20 : i32
    %add3A = arith.addi %mul3A_21, %arg0 : i32
    %mul3A_22 = arith.constant 10000 : i32
    %mul3A_23 = arith.muli %add3A, %mul3A_22 : i32
    %scan3A_24 = arith.constant 0 : i32
    %scan3A_25 = arith.constant 125 : i32
    %scan3A_26 = arith.addi %scan3A_24, %scan3A_25 : i32
    %scan3A_27 = arith.constant 1 : i32
    scf.for %scan3A_30 = %scan3A_24 to %scan3A_26 step %scan3A_27  : i32 {
      %mul3A_31 = arith.constant 1 : i32
      %mul3A_32 = arith.muli %scan3A_30, %mul3A_31 : i32
      %add3A_33 = arith.constant 0 : i32
      %add3A_34 = arith.addi %add3A_33, %mul3A_32 : i32
      %mul3A_35 = arith.constant 80 : i32
      %mul3A_36 = arith.muli %add3A_34, %mul3A_35 : i32
      %add3A_37 = arith.addi %mul3A_23, %mul3A_36 : i32
      "tpu.region"() ({
        %run_scoped3A = tpu.sem_alloc : memref<!tpu.dma_semaphore, #tpu.memory_space<semaphore_mem>>
        %dma_start3A = tpu.memref_slice %arg3[%add3A_37] : memref<320000xi32, #tpu.memory_space<hbm>> -> memref<80xi32, #tpu.memory_space<hbm>>
        %dma_start3A_38 = tpu.memref_slice %arg3[%add3A_37] : memref<320000xi32, #tpu.memory_space<hbm>> -> memref<80xi32, #tpu.memory_space<hbm>>
        tpu.enqueue_dma source(%dma_start3A_38 : memref<80xi32, #tpu.memory_space<hbm>>) target(%arg7 : memref<80xi32, #tpu.memory_space<vmem>>) target_semaphore(%run_scoped3A : memref<!tpu.dma_semaphore, #tpu.memory_space<semaphore_mem>>)
        %dma_wait3A = tpu.memref_slice %arg3[%add3A_37] : memref<320000xi32, #tpu.memory_space<hbm>> -> memref<80xi32, #tpu.memory_space<hbm>>
        %dma_wait3A_39 = tpu.memref_slice %arg3[%add3A_37] : memref<320000xi32, #tpu.memory_space<hbm>> -> memref<80xi32, #tpu.memory_space<hbm>>
        tpu.wait_dma2 semaphore(%run_scoped3A : memref<!tpu.dma_semaphore, #tpu.memory_space<semaphore_mem>>) src(%dma_wait3A_39 : memref<80xi32, #tpu.memory_space<hbm>>) dst(%arg7 : memref<80xi32, #tpu.memory_space<vmem>>)
        tpu.yield
      }) : () -> ()
      "tpu.region"() ({
        %run_scoped3A = tpu.sem_alloc : memref<!tpu.dma_semaphore, #tpu.memory_space<semaphore_mem>>
        %dma_start3A = tpu.memref_slice %arg4[%add3A_37] : memref<320000xi32, #tpu.memory_space<hbm>> -> memref<80xi32, #tpu.memory_space<hbm>>
        %dma_start3A_38 = tpu.memref_slice %arg4[%add3A_37] : memref<320000xi32, #tpu.memory_space<hbm>> -> memref<80xi32, #tpu.memory_space<hbm>>
        tpu.enqueue_dma source(%dma_start3A_38 : memref<80xi32, #tpu.memory_space<hbm>>) target(%arg8 : memref<80xi32, #tpu.memory_space<vmem>>) target_semaphore(%run_scoped3A : memref<!tpu.dma_semaphore, #tpu.memory_space<semaphore_mem>>)
        %dma_wait3A = tpu.memref_slice %arg4[%add3A_37] : memref<320000xi32, #tpu.memory_space<hbm>> -> memref<80xi32, #tpu.memory_space<hbm>>
        %dma_wait3A_39 = tpu.memref_slice %arg4[%add3A_37] : memref<320000xi32, #tpu.memory_space<hbm>> -> memref<80xi32, #tpu.memory_space<hbm>>
        tpu.wait_dma2 semaphore(%run_scoped3A : memref<!tpu.dma_semaphore, #tpu.memory_space<semaphore_mem>>) src(%dma_wait3A_39 : memref<80xi32, #tpu.memory_space<hbm>>) dst(%arg8 : memref<80xi32, #tpu.memory_space<vmem>>)
        tpu.yield
      }) : () -> ()
      "tpu.region"() ({
        %run_scoped3A = tpu.sem_alloc : memref<!tpu.dma_semaphore, #tpu.memory_space<semaphore_mem>>
        %dma_start3A = arith.constant 0 : i32
        %dma_start3A_38 = arith.constant 0 : i32
        %dma_start3A_39 = tpu.memref_slice %arg2[%dma_start3A, %dma_start3A_38] : memref<10000x128xf32, #tpu.memory_space<hbm>> -> memref<10000x128xf32, #tpu.memory_space<hbm>>
        tpu.enqueue_indirect_dma source(%dma_start3A_39 : memref<10000x128xf32, #tpu.memory_space<hbm>>) target(%arg9 : memref<80x128xf32, #tpu.memory_space<vmem>>) offsets(%arg7 : memref<80xi32, #tpu.memory_space<vmem>>) semaphore(%run_scoped3A : memref<!tpu.dma_semaphore, #tpu.memory_space<semaphore_mem>>)
        %dma_wait3A = arith.constant 0 : i32
        %dma_wait3A_40 = arith.constant 0 : i32
        %dma_wait3A_41 = tpu.memref_slice %arg2[%dma_wait3A, %dma_wait3A_40] : memref<10000x128xf32, #tpu.memory_space<hbm>> -> memref<10000x128xf32, #tpu.memory_space<hbm>>
        tpu.wait_indirect_dma semaphore(%run_scoped3A : memref<!tpu.dma_semaphore, #tpu.memory_space<semaphore_mem>>) src(%dma_wait3A_41 : memref<10000x128xf32, #tpu.memory_space<hbm>>) dst(%arg9 : memref<80x128xf32, #tpu.memory_space<vmem>>)
        tpu.yield
      }) : () -> ()
      "tpu.region"() ({
        %run_scoped3A = tpu.sem_alloc : memref<!tpu.dma_semaphore, #tpu.memory_space<semaphore_mem>>
        %dma_start3A = arith.constant 0 : i32
        %dma_start3A_38 = arith.constant 0 : i32
        %dma_start3A_39 = tpu.memref_slice %arg11[%dma_start3A, %dma_start3A_38] : memref<10240x128xf32, #tpu.memory_space<vmem_shared>> -> memref<10240x128xf32, #tpu.memory_space<vmem_shared>>
        tpu.enqueue_indirect_dma source(%arg9 : memref<80x128xf32, #tpu.memory_space<vmem>>) target(%dma_start3A_39 : memref<10240x128xf32, #tpu.memory_space<vmem_shared>>) offsets(%arg8 : memref<80xi32, #tpu.memory_space<vmem>>) semaphore(%run_scoped3A : memref<!tpu.dma_semaphore, #tpu.memory_space<semaphore_mem>>) {add = true}
        %dma_wait3A = arith.constant 0 : i32
        %dma_wait3A_40 = arith.constant 0 : i32
        %dma_wait3A_41 = tpu.memref_slice %arg11[%dma_wait3A, %dma_wait3A_40] : memref<10240x128xf32, #tpu.memory_space<vmem_shared>> -> memref<10240x128xf32, #tpu.memory_space<vmem_shared>>
        tpu.wait_indirect_dma semaphore(%run_scoped3A : memref<!tpu.dma_semaphore, #tpu.memory_space<semaphore_mem>>) src(%arg9 : memref<80x128xf32, #tpu.memory_space<vmem>>) dst(%dma_wait3A_41 : memref<10240x128xf32, #tpu.memory_space<vmem_shared>>)
        tpu.yield
      }) : () -> ()
      "tpu.region"() ({
        %run_scoped3A = tpu.sem_alloc : memref<!tpu.dma_semaphore, #tpu.memory_space<semaphore_mem>>
        %dma_start3A = arith.constant 0 : i32
        %dma_start3A_38 = tpu.memref_slice %arg14[%dma_start3A] : memref<10240xf32, #tpu.memory_space<vmem_shared>> -> memref<10240xf32, #tpu.memory_space<vmem_shared>>
        tpu.enqueue_indirect_dma source(%arg12 : memref<80xf32, #tpu.memory_space<vmem>>) target(%dma_start3A_38 : memref<10240xf32, #tpu.memory_space<vmem_shared>>) offsets(%arg8 : memref<80xi32, #tpu.memory_space<vmem>>) semaphore(%run_scoped3A : memref<!tpu.dma_semaphore, #tpu.memory_space<semaphore_mem>>) {add = true}
        %dma_wait3A = arith.constant 0 : i32
        %dma_wait3A_39 = tpu.memref_slice %arg14[%dma_wait3A] : memref<10240xf32, #tpu.memory_space<vmem_shared>> -> memref<10240xf32, #tpu.memory_space<vmem_shared>>
        tpu.wait_indirect_dma semaphore(%run_scoped3A : memref<!tpu.dma_semaphore, #tpu.memory_space<semaphore_mem>>) src(%arg12 : memref<80xf32, #tpu.memory_space<vmem>>) dst(%dma_wait3A_39 : memref<10240xf32, #tpu.memory_space<vmem_shared>>)
        tpu.yield
      }) : () -> ()
    }
    %scan3A_28 = arith.constant 125 : i32
    %barrier3A_29 = arith.constant 0 : index
    tpu.barrier barrier_id(%barrier3A_29)
    "tpu.region"() ({
      %run_scoped3A = tpu.sem_alloc : memref<!tpu.dma_semaphore, #tpu.memory_space<semaphore_mem>>
      %dma_start3A = arith.constant 0 : i32
      %dma_start3A_30 = tpu.memref_slice %arg5[%arg0, %mul3A_0, %dma_start3A] : memref<2x10240x128xf32, #tpu.memory_space<hbm>> -> memref<1x640x128xf32, #tpu.memory_space<hbm>>
      %dma_start3A_31 = tpu.memref_squeeze %dma_start3A_30 : memref<1x640x128xf32, #tpu.memory_space<hbm>> -> memref<640x128xf32, #tpu.memory_space<hbm>>
      %dma_start3A_32 = arith.constant 0 : i32
      %dma_start3A_33 = tpu.memref_slice %arg11[%mul3A_0, %dma_start3A_32] : memref<10240x128xf32, #tpu.memory_space<vmem_shared>> -> memref<640x128xf32, #tpu.memory_space<vmem_shared>>
      tpu.enqueue_dma source(%dma_start3A_33 : memref<640x128xf32, #tpu.memory_space<vmem_shared>>) target(%dma_start3A_31 : memref<640x128xf32, #tpu.memory_space<hbm>>) target_semaphore(%run_scoped3A : memref<!tpu.dma_semaphore, #tpu.memory_space<semaphore_mem>>)
      %dma_wait3A = arith.constant 0 : i32
      %dma_wait3A_34 = tpu.memref_slice %arg5[%arg0, %mul3A_0, %dma_wait3A] : memref<2x10240x128xf32, #tpu.memory_space<hbm>> -> memref<1x640x128xf32, #tpu.memory_space<hbm>>
      %dma_wait3A_35 = tpu.memref_squeeze %dma_wait3A_34 : memref<1x640x128xf32, #tpu.memory_space<hbm>> -> memref<640x128xf32, #tpu.memory_space<hbm>>
      %dma_wait3A_36 = arith.constant 0 : i32
      %dma_wait3A_37 = tpu.memref_slice %arg11[%mul3A_0, %dma_wait3A_36] : memref<10240x128xf32, #tpu.memory_space<vmem_shared>> -> memref<640x128xf32, #tpu.memory_space<vmem_shared>>
      tpu.wait_dma2 semaphore(%run_scoped3A : memref<!tpu.dma_semaphore, #tpu.memory_space<semaphore_mem>>) src(%dma_wait3A_37 : memref<640x128xf32, #tpu.memory_space<vmem_shared>>) dst(%dma_wait3A_35 : memref<640x128xf32, #tpu.memory_space<hbm>>)
      tpu.yield
    }) : () -> ()
    "tpu.region"() ({
      %run_scoped3A = tpu.sem_alloc : memref<!tpu.dma_semaphore, #tpu.memory_space<semaphore_mem>>
      %dma_start3A = tpu.memref_slice %arg6[%arg0, %mul3A_0] : memref<2x10240xf32, #tpu.memory_space<hbm>> -> memref<1x640xf32, #tpu.memory_space<hbm>>
      %dma_start3A_30 = tpu.memref_squeeze %dma_start3A : memref<1x640xf32, #tpu.memory_space<hbm>> -> memref<640xf32, #tpu.memory_space<hbm>>
      %dma_start3A_31 = tpu.memref_slice %arg14[%mul3A_0] : memref<10240xf32, #tpu.memory_space<vmem_shared>> -> memref<640xf32, #tpu.memory_space<vmem_shared>>
      tpu.enqueue_dma source(%dma_start3A_31 : memref<640xf32, #tpu.memory_space<vmem_shared>>) target(%dma_start3A_30 : memref<640xf32, #tpu.memory_space<hbm>>) target_semaphore(%run_scoped3A : memref<!tpu.dma_semaphore, #tpu.memory_space<semaphore_mem>>)
      %dma_wait3A = tpu.memref_slice %arg6[%arg0, %mul3A_0] : memref<2x10240xf32, #tpu.memory_space<hbm>> -> memref<1x640xf32, #tpu.memory_space<hbm>>
      %dma_wait3A_32 = tpu.memref_squeeze %dma_wait3A : memref<1x640xf32, #tpu.memory_space<hbm>> -> memref<640xf32, #tpu.memory_space<hbm>>
      %dma_wait3A_33 = tpu.memref_slice %arg14[%mul3A_0] : memref<10240xf32, #tpu.memory_space<vmem_shared>> -> memref<640xf32, #tpu.memory_space<vmem_shared>>
      tpu.wait_dma2 semaphore(%run_scoped3A : memref<!tpu.dma_semaphore, #tpu.memory_space<semaphore_mem>>) src(%dma_wait3A_33 : memref<640xf32, #tpu.memory_space<vmem_shared>>) dst(%dma_wait3A_32 : memref<640xf32, #tpu.memory_space<hbm>>)
      tpu.yield
    }) : () -> ()
    return
  }
}

#map = affine_map<(d0, d1) -> (0, 0)>
#map1 = affine_map<(d0, d1) -> (0)>
#map2 = affine_map<(d0, d1) -> (0, 0, 0)>
module attributes {stable_mosaic.version = 14 : i64} {
  func.func @body(%arg0: i32, %arg1: i32, %arg2: memref<10000x128xf32, #tpu.memory_space<hbm>>, %arg3: memref<320000xi32, #tpu.memory_space<hbm>>, %arg4: memref<320000xi32, #tpu.memory_space<hbm>>, %arg5: memref<2x10240x128xf32, #tpu.memory_space<hbm>>, %arg6: memref<80xi32, #tpu.memory_space<vmem>>, %arg7: memref<80xi32, #tpu.memory_space<vmem>>, %arg8: memref<80x128xf32, #tpu.memory_space<vmem>>, %arg9: memref<64x128xf32, #tpu.memory_space<vmem>>, %arg10: memref<10240x128xf32, #tpu.memory_space<vmem_shared>>) attributes {dimension_semantics = [#tpu.dimension_semantics<core_parallel>, #tpu.dimension_semantics<subcore_parallel>], iteration_bounds = array<i64: 2, 16>, scalar_prefetch = 0 : i64, scratch_operands = 5 : i64, tpu.core_type = #tpu.core_type<sc_vector_subcore>, window_params = [{transform_indices = #map}, {transform_indices = #map1}, {transform_indices = #map1}, {transform_indices = #map2}]} {
    %mul3A = arith.constant 640 : i32
    %mul3A_0 = arith.muli %arg1, %mul3A : i32
    %scan3A = arith.constant 0 : i32
    %scan3A_1 = arith.constant 64 : i32
    %scan3A_2 = arith.addi %scan3A, %scan3A_1 : i32
    %scan3A_3 = arith.constant 1 : i32
    scf.for %scan3A_20 = %scan3A to %scan3A_2 step %scan3A_3  : i32 {
      %mul3A_21 = arith.constant 1 : i32
      %mul3A_22 = arith.muli %scan3A_20, %mul3A_21 : i32
      %add3A_23 = arith.constant 0 : i32
      %add3A_24 = arith.addi %add3A_23, %mul3A_22 : i32
      %scan3A_25 = arith.constant 0 : i32
      %scan3A_26 = arith.constant 8 : i32
      %scan3A_27 = arith.addi %scan3A_25, %scan3A_26 : i32
      %scan3A_28 = arith.constant 1 : i32
      scf.for %scan3A_30 = %scan3A_25 to %scan3A_27 step %scan3A_28  : i32 {
        %mul3A_31 = arith.constant 16 : i32
        %mul3A_32 = arith.muli %scan3A_30, %mul3A_31 : i32
        %add3A_33 = arith.constant 0 : i32
        %add3A_34 = arith.addi %add3A_33, %mul3A_32 : i32
        %broadcast_in_dim3A = arith.constant 0.000000e+00 : f32
        %broadcast_in_dim3A_35 = vector.broadcast %broadcast_in_dim3A : f32 to vector<16xf32>
        %swap3A = arith.index_cast %add3A_24 : i32 to index
        %swap3A_36 = arith.index_cast %add3A_34 : i32 to index
        %swap3A_37 = tpu.vector_load %arg9[%swap3A, %swap3A_36] {strides = array<i32>} : memref<64x128xf32, #tpu.memory_space<vmem>>, vector<1x16xf32>,
        %swap3A_38 = vector.shape_cast %swap3A_37 : vector<1x16xf32> to vector<16xf32>
        %swap3A_39 = vector.shape_cast %broadcast_in_dim3A_35 : vector<16xf32> to vector<1x16xf32>
        tpu.vector_store %arg9[%swap3A, %swap3A_36], %swap3A_39 {strides = array<i32>} : memref<64x128xf32, #tpu.memory_space<vmem>>, vector<1x16xf32>,
      }
      %scan3A_29 = arith.constant 8 : i32
    }
    %scan3A_4 = arith.constant 64 : i32
    %scan3A_5 = arith.constant 0 : i32
    %scan3A_6 = arith.constant 10 : i32
    %scan3A_7 = arith.addi %scan3A_5, %scan3A_6 : i32
    %scan3A_8 = arith.constant 1 : i32
    scf.for %scan3A_20 = %scan3A_5 to %scan3A_7 step %scan3A_8  : i32 {
      %mul3A_21 = arith.constant 64 : i32
      %mul3A_22 = arith.muli %scan3A_20, %mul3A_21 : i32
      %add3A_23 = arith.constant 0 : i32
      %add3A_24 = arith.addi %add3A_23, %mul3A_22 : i32
      %add3A_25 = arith.addi %mul3A_0, %add3A_24 : i32
      "tpu.region"() ({
        %run_scoped3A = tpu.sem_alloc : memref<!tpu.dma_semaphore, #tpu.memory_space<semaphore_mem>>
        %dma_start3A = arith.constant 0 : i32
        %dma_start3A_26 = tpu.memref_slice %arg10[%add3A_25, %dma_start3A] : memref<10240x128xf32, #tpu.memory_space<vmem_shared>> -> memref<64x128xf32, #tpu.memory_space<vmem_shared>>
        %dma_start3A_27 = arith.constant 0 : i32
        %dma_start3A_28 = tpu.memref_slice %arg10[%add3A_25, %dma_start3A_27] : memref<10240x128xf32, #tpu.memory_space<vmem_shared>> -> memref<64x128xf32, #tpu.memory_space<vmem_shared>>
        tpu.enqueue_dma source(%arg9 : memref<64x128xf32, #tpu.memory_space<vmem>>) target(%dma_start3A_28 : memref<64x128xf32, #tpu.memory_space<vmem_shared>>) target_semaphore(%run_scoped3A : memref<!tpu.dma_semaphore, #tpu.memory_space<semaphore_mem>>)
        %dma_wait3A = arith.constant 0 : i32
        %dma_wait3A_29 = tpu.memref_slice %arg10[%add3A_25, %dma_wait3A] : memref<10240x128xf32, #tpu.memory_space<vmem_shared>> -> memref<64x128xf32, #tpu.memory_space<vmem_shared>>
        %dma_wait3A_30 = arith.constant 0 : i32
        %dma_wait3A_31 = tpu.memref_slice %arg10[%add3A_25, %dma_wait3A_30] : memref<10240x128xf32, #tpu.memory_space<vmem_shared>> -> memref<64x128xf32, #tpu.memory_space<vmem_shared>>
        tpu.wait_dma2 semaphore(%run_scoped3A : memref<!tpu.dma_semaphore, #tpu.memory_space<semaphore_mem>>) src(%arg9 : memref<64x128xf32, #tpu.memory_space<vmem>>) dst(%dma_wait3A_31 : memref<64x128xf32, #tpu.memory_space<vmem_shared>>)
        tpu.yield
      }) : () -> ()
    }
    %scan3A_9 = arith.constant 10 : i32
    %barrier3A = arith.constant 0 : index
    tpu.barrier barrier_id(%barrier3A)
    %mul3A_10 = arith.constant 2 : i32
    %mul3A_11 = arith.muli %arg1, %mul3A_10 : i32
    %add3A = arith.addi %mul3A_11, %arg0 : i32
    %mul3A_12 = arith.constant 10000 : i32
    %mul3A_13 = arith.muli %add3A, %mul3A_12 : i32
    %scan3A_14 = arith.constant 0 : i32
    %scan3A_15 = arith.constant 125 : i32
    %scan3A_16 = arith.addi %scan3A_14, %scan3A_15 : i32
    %scan3A_17 = arith.constant 1 : i32
    scf.for %scan3A_20 = %scan3A_14 to %scan3A_16 step %scan3A_17  : i32 {
      %mul3A_21 = arith.constant 1 : i32
      %mul3A_22 = arith.muli %scan3A_20, %mul3A_21 : i32
      %add3A_23 = arith.constant 0 : i32
      %add3A_24 = arith.addi %add3A_23, %mul3A_22 : i32
      %mul3A_25 = arith.constant 80 : i32
      %mul3A_26 = arith.muli %add3A_24, %mul3A_25 : i32
      %add3A_27 = arith.addi %mul3A_13, %mul3A_26 : i32
      "tpu.region"() ({
        %run_scoped3A = tpu.sem_alloc : memref<!tpu.dma_semaphore, #tpu.memory_space<semaphore_mem>>
        %dma_start3A = tpu.memref_slice %arg3[%add3A_27] : memref<320000xi32, #tpu.memory_space<hbm>> -> memref<80xi32, #tpu.memory_space<hbm>>
        %dma_start3A_28 = tpu.memref_slice %arg3[%add3A_27] : memref<320000xi32, #tpu.memory_space<hbm>> -> memref<80xi32, #tpu.memory_space<hbm>>
        tpu.enqueue_dma source(%dma_start3A_28 : memref<80xi32, #tpu.memory_space<hbm>>) target(%arg6 : memref<80xi32, #tpu.memory_space<vmem>>) target_semaphore(%run_scoped3A : memref<!tpu.dma_semaphore, #tpu.memory_space<semaphore_mem>>)
        %dma_wait3A = tpu.memref_slice %arg3[%add3A_27] : memref<320000xi32, #tpu.memory_space<hbm>> -> memref<80xi32, #tpu.memory_space<hbm>>
        %dma_wait3A_29 = tpu.memref_slice %arg3[%add3A_27] : memref<320000xi32, #tpu.memory_space<hbm>> -> memref<80xi32, #tpu.memory_space<hbm>>
        tpu.wait_dma2 semaphore(%run_scoped3A : memref<!tpu.dma_semaphore, #tpu.memory_space<semaphore_mem>>) src(%dma_wait3A_29 : memref<80xi32, #tpu.memory_space<hbm>>) dst(%arg6 : memref<80xi32, #tpu.memory_space<vmem>>)
        tpu.yield
      }) : () -> ()
      "tpu.region"() ({
        %run_scoped3A = tpu.sem_alloc : memref<!tpu.dma_semaphore, #tpu.memory_space<semaphore_mem>>
        %dma_start3A = tpu.memref_slice %arg4[%add3A_27] : memref<320000xi32, #tpu.memory_space<hbm>> -> memref<80xi32, #tpu.memory_space<hbm>>
        %dma_start3A_28 = tpu.memref_slice %arg4[%add3A_27] : memref<320000xi32, #tpu.memory_space<hbm>> -> memref<80xi32, #tpu.memory_space<hbm>>
        tpu.enqueue_dma source(%dma_start3A_28 : memref<80xi32, #tpu.memory_space<hbm>>) target(%arg7 : memref<80xi32, #tpu.memory_space<vmem>>) target_semaphore(%run_scoped3A : memref<!tpu.dma_semaphore, #tpu.memory_space<semaphore_mem>>)
        %dma_wait3A = tpu.memref_slice %arg4[%add3A_27] : memref<320000xi32, #tpu.memory_space<hbm>> -> memref<80xi32, #tpu.memory_space<hbm>>
        %dma_wait3A_29 = tpu.memref_slice %arg4[%add3A_27] : memref<320000xi32, #tpu.memory_space<hbm>> -> memref<80xi32, #tpu.memory_space<hbm>>
        tpu.wait_dma2 semaphore(%run_scoped3A : memref<!tpu.dma_semaphore, #tpu.memory_space<semaphore_mem>>) src(%dma_wait3A_29 : memref<80xi32, #tpu.memory_space<hbm>>) dst(%arg7 : memref<80xi32, #tpu.memory_space<vmem>>)
        tpu.yield
      }) : () -> ()
      "tpu.region"() ({
        %run_scoped3A = tpu.sem_alloc : memref<!tpu.dma_semaphore, #tpu.memory_space<semaphore_mem>>
        %dma_start3A = arith.constant 0 : i32
        %dma_start3A_28 = arith.constant 0 : i32
        %dma_start3A_29 = tpu.memref_slice %arg2[%dma_start3A, %dma_start3A_28] : memref<10000x128xf32, #tpu.memory_space<hbm>> -> memref<10000x128xf32, #tpu.memory_space<hbm>>
        tpu.enqueue_indirect_dma source(%dma_start3A_29 : memref<10000x128xf32, #tpu.memory_space<hbm>>) target(%arg8 : memref<80x128xf32, #tpu.memory_space<vmem>>) offsets(%arg6 : memref<80xi32, #tpu.memory_space<vmem>>) semaphore(%run_scoped3A : memref<!tpu.dma_semaphore, #tpu.memory_space<semaphore_mem>>)
        %dma_wait3A = arith.constant 0 : i32
        %dma_wait3A_30 = arith.constant 0 : i32
        %dma_wait3A_31 = tpu.memref_slice %arg2[%dma_wait3A, %dma_wait3A_30] : memref<10000x128xf32, #tpu.memory_space<hbm>> -> memref<10000x128xf32, #tpu.memory_space<hbm>>
        tpu.wait_indirect_dma semaphore(%run_scoped3A : memref<!tpu.dma_semaphore, #tpu.memory_space<semaphore_mem>>) src(%dma_wait3A_31 : memref<10000x128xf32, #tpu.memory_space<hbm>>) dst(%arg8 : memref<80x128xf32, #tpu.memory_space<vmem>>)
        tpu.yield
      }) : () -> ()
      "tpu.region"() ({
        %run_scoped3A = tpu.sem_alloc : memref<!tpu.dma_semaphore, #tpu.memory_space<semaphore_mem>>
        %dma_start3A = arith.constant 0 : i32
        %dma_start3A_28 = arith.constant 0 : i32
        %dma_start3A_29 = tpu.memref_slice %arg10[%dma_start3A, %dma_start3A_28] : memref<10240x128xf32, #tpu.memory_space<vmem_shared>> -> memref<10240x128xf32, #tpu.memory_space<vmem_shared>>
        tpu.enqueue_indirect_dma source(%arg8 : memref<80x128xf32, #tpu.memory_space<vmem>>) target(%dma_start3A_29 : memref<10240x128xf32, #tpu.memory_space<vmem_shared>>) offsets(%arg7 : memref<80xi32, #tpu.memory_space<vmem>>) semaphore(%run_scoped3A : memref<!tpu.dma_semaphore, #tpu.memory_space<semaphore_mem>>) {add = true}
        %dma_wait3A = arith.constant 0 : i32
        %dma_wait3A_30 = arith.constant 0 : i32
        %dma_wait3A_31 = tpu.memref_slice %arg10[%dma_wait3A, %dma_wait3A_30] : memref<10240x128xf32, #tpu.memory_space<vmem_shared>> -> memref<10240x128xf32, #tpu.memory_space<vmem_shared>>
        tpu.wait_indirect_dma semaphore(%run_scoped3A : memref<!tpu.dma_semaphore, #tpu.memory_space<semaphore_mem>>) src(%arg8 : memref<80x128xf32, #tpu.memory_space<vmem>>) dst(%dma_wait3A_31 : memref<10240x128xf32, #tpu.memory_space<vmem_shared>>)
        tpu.yield
      }) : () -> ()
    }
    %scan3A_18 = arith.constant 125 : i32
    %barrier3A_19 = arith.constant 0 : index
    tpu.barrier barrier_id(%barrier3A_19)
    "tpu.region"() ({
      %run_scoped3A = tpu.sem_alloc : memref<!tpu.dma_semaphore, #tpu.memory_space<semaphore_mem>>
      %dma_start3A = arith.constant 0 : i32
      %dma_start3A_20 = tpu.memref_slice %arg5[%arg0, %mul3A_0, %dma_start3A] : memref<2x10240x128xf32, #tpu.memory_space<hbm>> -> memref<1x640x128xf32, #tpu.memory_space<hbm>>
      %dma_start3A_21 = tpu.memref_squeeze %dma_start3A_20 : memref<1x640x128xf32, #tpu.memory_space<hbm>> -> memref<640x128xf32, #tpu.memory_space<hbm>>
      %dma_start3A_22 = arith.constant 0 : i32
      %dma_start3A_23 = tpu.memref_slice %arg10[%mul3A_0, %dma_start3A_22] : memref<10240x128xf32, #tpu.memory_space<vmem_shared>> -> memref<640x128xf32, #tpu.memory_space<vmem_shared>>
      tpu.enqueue_dma source(%dma_start3A_23 : memref<640x128xf32, #tpu.memory_space<vmem_shared>>) target(%dma_start3A_21 : memref<640x128xf32, #tpu.memory_space<hbm>>) target_semaphore(%run_scoped3A : memref<!tpu.dma_semaphore, #tpu.memory_space<semaphore_mem>>)
      %dma_wait3A = arith.constant 0 : i32
      %dma_wait3A_24 = tpu.memref_slice %arg5[%arg0, %mul3A_0, %dma_wait3A] : memref<2x10240x128xf32, #tpu.memory_space<hbm>> -> memref<1x640x128xf32, #tpu.memory_space<hbm>>
      %dma_wait3A_25 = tpu.memref_squeeze %dma_wait3A_24 : memref<1x640x128xf32, #tpu.memory_space<hbm>> -> memref<640x128xf32, #tpu.memory_space<hbm>>
      %dma_wait3A_26 = arith.constant 0 : i32
      %dma_wait3A_27 = tpu.memref_slice %arg10[%mul3A_0, %dma_wait3A_26] : memref<10240x128xf32, #tpu.memory_space<vmem_shared>> -> memref<640x128xf32, #tpu.memory_space<vmem_shared>>
      tpu.wait_dma2 semaphore(%run_scoped3A : memref<!tpu.dma_semaphore, #tpu.memory_space<semaphore_mem>>) src(%dma_wait3A_27 : memref<640x128xf32, #tpu.memory_space<vmem_shared>>) dst(%dma_wait3A_25 : memref<640x128xf32, #tpu.memory_space<hbm>>)
      tpu.yield
    }) : () -> ()
    return
  }
}

module attributes {stable_mosaic.version = 14 : i64} {
  func.func @_combine_body(%arg0: i32, %arg1: memref<2x1000x128xf32, #tpu.memory_space<vmem>>, %arg2: memref<2x1000x1xf32, #tpu.memory_space<vmem>>, %arg3: memref<1000x128xf32, #tpu.memory_space<vmem>>, %arg4: memref<128x128xf32, #tpu.memory_space<vmem>>, %arg5: memref<128x128xf32, #tpu.memory_space<vmem>>, %arg6: memref<1x128xf32, #tpu.memory_space<vmem>>, %arg7: memref<1000x128xf32, #tpu.memory_space<vmem>>) attributes {dimension_semantics = [#tpu.dimension_semantics<arbitrary>], iteration_bounds = array<i64: 10>, scalar_prefetch = 0 : i64, scratch_operands = 0 : i64, tpu.core_type = #tpu.core_type<tc>, window_params = [{transform_indices = @transform_0, window_bounds = array<i64: 2, 1000, 128>}, {transform_indices = @transform_1, window_bounds = array<i64: 2, 1000, 1>}, {transform_indices = @transform_2, window_bounds = array<i64: 1000, 128>}, {pipeline_mode = #tpu.pipeline_mode<synchronous>, transform_indices = @transform_3, window_bounds = array<i64: 128, 128>}, {pipeline_mode = #tpu.pipeline_mode<synchronous>, transform_indices = @transform_4, window_bounds = array<i64: 128, 128>}, {pipeline_mode = #tpu.pipeline_mode<synchronous>, transform_indices = @transform_5, window_bounds = array<i64: 1, 128>}, {transform_indices = @transform_6, window_bounds = array<i64: 1000, 128>}]} {
    %get3A = arith.constant 0 : index
    %get3A_0 = arith.constant 0 : index
    %get3A_1 = arith.constant 0 : index
    %get3A_2 = vector.load %arg2[%get3A, %get3A_0, %get3A_1] : memref<2x1000x1xf32, #tpu.memory_space<vmem>>, vector<1x1000x1xf32>
    %get3A_3 = vector.shape_cast %get3A_2 : vector<1x1000x1xf32> to vector<1000x1xf32>
    %get3A_4 = arith.constant 1 : index
    %get3A_5 = arith.constant 0 : index
    %get3A_6 = arith.constant 0 : index
    %get3A_7 = vector.load %arg2[%get3A_4, %get3A_5, %get3A_6] : memref<2x1000x1xf32, #tpu.memory_space<vmem>>, vector<1x1000x1xf32>
    %get3A_8 = vector.shape_cast %get3A_7 : vector<1x1000x1xf32> to vector<1000x1xf32>
    %add3A = arith.addf %get3A_3, %get3A_8 : vector<1000x1xf32>
    %max3A = arith.constant 1.000000e+00 : f32
    %max3A_9 = vector.broadcast %max3A : f32 to vector<1000x1xf32>
    %max3A_10 = arith.maximumf %add3A, %max3A_9 : vector<1000x1xf32>
    %get3A_11 = arith.constant 0 : index
    %get3A_12 = arith.constant 0 : index
    %get3A_13 = arith.constant 0 : index
    %get3A_14 = vector.load %arg1[%get3A_11, %get3A_12, %get3A_13] : memref<2x1000x128xf32, #tpu.memory_space<vmem>>, vector<1x1000x128xf32>
    %get3A_15 = vector.shape_cast %get3A_14 : vector<1x1000x128xf32> to vector<1000x128xf32>
    %get3A_16 = arith.constant 1 : index
    %get3A_17 = arith.constant 0 : index
    %get3A_18 = arith.constant 0 : index
    %get3A_19 = vector.load %arg1[%get3A_16, %get3A_17, %get3A_18] : memref<2x1000x128xf32, #tpu.memory_space<vmem>>, vector<1x1000x128xf32>
    %get3A_20 = vector.shape_cast %get3A_19 : vector<1x1000x128xf32> to vector<1000x128xf32>
    %add3A_21 = arith.addf %get3A_15, %get3A_20 : vector<1000x128xf32>
    %div3A = vector.broadcast %max3A_10 : vector<1000x1xf32> to vector<1000x128xf32>
    %div3A_22 = arith.divf %add3A_21, %div3A : vector<1000x128xf32>
    %get3A_23 = arith.constant 0 : index
    %get3A_24 = arith.constant 0 : index
    %get3A_25 = vector.load %arg4[%get3A_23, %get3A_24] : memref<128x128xf32, #tpu.memory_space<vmem>>, vector<128x128xf32>
    %dot_general3A = arith.constant dense<0.000000e+00> : vector<1000x128xf32>
    %dot_general3A_26 = tpu.matmul %div3A_22, %get3A_25, %dot_general3A {dimension_numbers = #tpu.dot_dimension_numbers<[1], [0], [0], [1], [0, 0, 1, 1], [], []>, transpose_lhs_hint = false} : vector<1000x128xf32>, vector<128x128xf32>, vector<1000x128xf32> -> vector<1000x128xf32>
    %get3A_27 = arith.constant 0 : index
    %get3A_28 = arith.constant 0 : index
    %get3A_29 = vector.load %arg3[%get3A_27, %get3A_28] : memref<1000x128xf32, #tpu.memory_space<vmem>>, vector<1000x128xf32>
    %get3A_30 = arith.constant 0 : index
    %get3A_31 = arith.constant 0 : index
    %get3A_32 = vector.load %arg5[%get3A_30, %get3A_31] : memref<128x128xf32, #tpu.memory_space<vmem>>, vector<128x128xf32>
    %dot_general3A_33 = arith.constant dense<0.000000e+00> : vector<1000x128xf32>
    %dot_general3A_34 = tpu.matmul %get3A_29, %get3A_32, %dot_general3A_33 {dimension_numbers = #tpu.dot_dimension_numbers<[1], [0], [0], [1], [0, 0, 1, 1], [], []>, transpose_lhs_hint = false} : vector<1000x128xf32>, vector<128x128xf32>, vector<1000x128xf32> -> vector<1000x128xf32>
    %add3A_35 = arith.addf %dot_general3A_26, %dot_general3A_34 : vector<1000x128xf32>
    %get3A_36 = arith.constant 0 : index
    %get3A_37 = arith.constant 0 : index
    %get3A_38 = vector.load %arg6[%get3A_36, %get3A_37] : memref<1x128xf32, #tpu.memory_space<vmem>>, vector<1x128xf32>
    %add3A_39 = vector.broadcast %get3A_38 : vector<1x128xf32> to vector<1000x128xf32>
    %add3A_40 = arith.addf %add3A_35, %add3A_39 : vector<1000x128xf32>
    %max3A_41 = arith.constant 0.000000e+00 : f32
    %max3A_42 = vector.broadcast %max3A_41 : f32 to vector<1000x128xf32>
    %max3A_43 = arith.maximumf %add3A_40, %max3A_42 : vector<1000x128xf32>
    %swap3A = arith.constant 0 : index
    %swap3A_44 = arith.constant 0 : index
    %swap3A_45 = vector.load %arg7[%swap3A, %swap3A_44] : memref<1000x128xf32, #tpu.memory_space<vmem>>, vector<1000x128xf32>
    tpu.vector_store %arg7[%swap3A, %swap3A_44], %max3A_43 {strides = array<i32>} : memref<1000x128xf32, #tpu.memory_space<vmem>>, vector<1000x128xf32>,
    return
  }
  func.func @transform_0(%arg0: i32) -> (i32, i32, i32) {
    %c0_i32 = arith.constant 0 : i32
    %c0_i32_0 = arith.constant 0 : i32
    %c0_i32_1 = arith.constant 0 : i32
    return %c0_i32, %arg0, %c0_i32_0 : i32, i32, i32
  }
  func.func @transform_1(%arg0: i32) -> (i32, i32, i32) {
    %c0_i32 = arith.constant 0 : i32
    %c0_i32_0 = arith.constant 0 : i32
    %c0_i32_1 = arith.constant 0 : i32
    return %c0_i32, %arg0, %c0_i32_0 : i32, i32, i32
  }
  func.func @transform_2(%arg0: i32) -> (i32, i32) {
    %c0_i32 = arith.constant 0 : i32
    %c0_i32_0 = arith.constant 0 : i32
    return %arg0, %c0_i32 : i32, i32
  }
  func.func @transform_3(%arg0: i32) -> (i32, i32) {
    %c0_i32 = arith.constant 0 : i32
    %c0_i32_0 = arith.constant 0 : i32
    %c0_i32_1 = arith.constant 0 : i32
    return %c0_i32, %c0_i32_0 : i32, i32
  }
  func.func @transform_4(%arg0: i32) -> (i32, i32) {
    %c0_i32 = arith.constant 0 : i32
    %c0_i32_0 = arith.constant 0 : i32
    %c0_i32_1 = arith.constant 0 : i32
    return %c0_i32, %c0_i32_0 : i32, i32
  }
  func.func @transform_5(%arg0: i32) -> (i32, i32) {
    %c0_i32 = arith.constant 0 : i32
    %c0_i32_0 = arith.constant 0 : i32
    %c0_i32_1 = arith.constant 0 : i32
    return %c0_i32, %c0_i32_0 : i32, i32
  }
  func.func @transform_6(%arg0: i32) -> (i32, i32) {
    %c0_i32 = arith.constant 0 : i32
    %c0_i32_0 = arith.constant 0 : i32
    return %arg0, %c0_i32 : i32, i32
  }
}

module attributes {stable_mosaic.version = 14 : i64} {
  func.func @_combine_body(%arg0: i32, %arg1: memref<2x1000x128xf32, #tpu.memory_space<vmem>>, %arg2: memref<2x1000x1xf32, #tpu.memory_space<vmem>>, %arg3: memref<1000x128xf32, #tpu.memory_space<vmem>>, %arg4: memref<128x128xf32, #tpu.memory_space<vmem>>, %arg5: memref<128x128xf32, #tpu.memory_space<vmem>>, %arg6: memref<1x128xf32, #tpu.memory_space<vmem>>, %arg7: memref<1000x47xf32, #tpu.memory_space<vmem>>) attributes {dimension_semantics = [#tpu.dimension_semantics<arbitrary>], iteration_bounds = array<i64: 10>, scalar_prefetch = 0 : i64, scratch_operands = 0 : i64, tpu.core_type = #tpu.core_type<tc>, window_params = [{transform_indices = @transform_0, window_bounds = array<i64: 2, 1000, 128>}, {transform_indices = @transform_1, window_bounds = array<i64: 2, 1000, 1>}, {transform_indices = @transform_2, window_bounds = array<i64: 1000, 128>}, {pipeline_mode = #tpu.pipeline_mode<synchronous>, transform_indices = @transform_3, window_bounds = array<i64: 128, 128>}, {pipeline_mode = #tpu.pipeline_mode<synchronous>, transform_indices = @transform_4, window_bounds = array<i64: 128, 128>}, {pipeline_mode = #tpu.pipeline_mode<synchronous>, transform_indices = @transform_5, window_bounds = array<i64: 1, 128>}, {transform_indices = @transform_6, window_bounds = array<i64: 1000, 47>}]} {
    %get3A = arith.constant 0 : index
    %get3A_0 = arith.constant 0 : index
    %get3A_1 = arith.constant 0 : index
    %get3A_2 = vector.load %arg2[%get3A, %get3A_0, %get3A_1] : memref<2x1000x1xf32, #tpu.memory_space<vmem>>, vector<1x1000x1xf32>
    %get3A_3 = vector.shape_cast %get3A_2 : vector<1x1000x1xf32> to vector<1000x1xf32>
    %get3A_4 = arith.constant 1 : index
    %get3A_5 = arith.constant 0 : index
    %get3A_6 = arith.constant 0 : index
    %get3A_7 = vector.load %arg2[%get3A_4, %get3A_5, %get3A_6] : memref<2x1000x1xf32, #tpu.memory_space<vmem>>, vector<1x1000x1xf32>
    %get3A_8 = vector.shape_cast %get3A_7 : vector<1x1000x1xf32> to vector<1000x1xf32>
    %add3A = arith.addf %get3A_3, %get3A_8 : vector<1000x1xf32>
    %max3A = arith.constant 1.000000e+00 : f32
    %max3A_9 = vector.broadcast %max3A : f32 to vector<1000x1xf32>
    %max3A_10 = arith.maximumf %add3A, %max3A_9 : vector<1000x1xf32>
    %get3A_11 = arith.constant 0 : index
    %get3A_12 = arith.constant 0 : index
    %get3A_13 = arith.constant 0 : index
    %get3A_14 = vector.load %arg1[%get3A_11, %get3A_12, %get3A_13] : memref<2x1000x128xf32, #tpu.memory_space<vmem>>, vector<1x1000x128xf32>
    %get3A_15 = vector.shape_cast %get3A_14 : vector<1x1000x128xf32> to vector<1000x128xf32>
    %get3A_16 = arith.constant 1 : index
    %get3A_17 = arith.constant 0 : index
    %get3A_18 = arith.constant 0 : index
    %get3A_19 = vector.load %arg1[%get3A_16, %get3A_17, %get3A_18] : memref<2x1000x128xf32, #tpu.memory_space<vmem>>, vector<1x1000x128xf32>
    %get3A_20 = vector.shape_cast %get3A_19 : vector<1x1000x128xf32> to vector<1000x128xf32>
    %add3A_21 = arith.addf %get3A_15, %get3A_20 : vector<1000x128xf32>
    %div3A = vector.broadcast %max3A_10 : vector<1000x1xf32> to vector<1000x128xf32>
    %div3A_22 = arith.divf %add3A_21, %div3A : vector<1000x128xf32>
    %get3A_23 = arith.constant 0 : index
    %get3A_24 = arith.constant 0 : index
    %get3A_25 = vector.load %arg4[%get3A_23, %get3A_24] : memref<128x128xf32, #tpu.memory_space<vmem>>, vector<128x128xf32>
    %dot_general3A = arith.constant dense<0.000000e+00> : vector<1000x128xf32>
    %dot_general3A_26 = tpu.matmul %div3A_22, %get3A_25, %dot_general3A {dimension_numbers = #tpu.dot_dimension_numbers<[1], [0], [0], [1], [0, 0, 1, 1], [], []>, transpose_lhs_hint = false} : vector<1000x128xf32>, vector<128x128xf32>, vector<1000x128xf32> -> vector<1000x128xf32>
    %get3A_27 = arith.constant 0 : index
    %get3A_28 = arith.constant 0 : index
    %get3A_29 = vector.load %arg3[%get3A_27, %get3A_28] : memref<1000x128xf32, #tpu.memory_space<vmem>>, vector<1000x128xf32>
    %get3A_30 = arith.constant 0 : index
    %get3A_31 = arith.constant 0 : index
    %get3A_32 = vector.load %arg5[%get3A_30, %get3A_31] : memref<128x128xf32, #tpu.memory_space<vmem>>, vector<128x128xf32>
    %dot_general3A_33 = arith.constant dense<0.000000e+00> : vector<1000x128xf32>
    %dot_general3A_34 = tpu.matmul %get3A_29, %get3A_32, %dot_general3A_33 {dimension_numbers = #tpu.dot_dimension_numbers<[1], [0], [0], [1], [0, 0, 1, 1], [], []>, transpose_lhs_hint = false} : vector<1000x128xf32>, vector<128x128xf32>, vector<1000x128xf32> -> vector<1000x128xf32>
    %add3A_35 = arith.addf %dot_general3A_26, %dot_general3A_34 : vector<1000x128xf32>
    %get3A_36 = arith.constant 0 : index
    %get3A_37 = arith.constant 0 : index
    %get3A_38 = vector.load %arg6[%get3A_36, %get3A_37] : memref<1x128xf32, #tpu.memory_space<vmem>>, vector<1x128xf32>
    %add3A_39 = vector.broadcast %get3A_38 : vector<1x128xf32> to vector<1000x128xf32>
    %add3A_40 = arith.addf %add3A_35, %add3A_39 : vector<1000x128xf32>
    %iota3A = tpu.iota {dimensions = array<i32: 1>} : vector<1000x128xi32>
    %lt3A = arith.constant 47 : i32
    %lt3A_41 = vector.broadcast %lt3A : i32 to vector<1000x128xi32>
    %lt3A_42 = arith.cmpi slt, %iota3A, %lt3A_41 : vector<1000x128xi32>
    %jit3A = arith.constant -1.000000e+30 : f32
    %broadcast_in_dim3A = vector.broadcast %jit3A : f32 to vector<1000x128xf32>
    %select_n3A = arith.select %lt3A_42, %add3A_40, %broadcast_in_dim3A : vector<1000x128xi1>, vector<1000x128xf32>
    %reduce_max3A = arith.constant dense<0xFF800000> : vector<1000xf32>
    %reduce_max3A_43 = vector.multi_reduction <maximumf>, %select_n3A, %reduce_max3A [1] : vector<1000x128xf32> to vector<1000xf32>
    %broadcast_in_dim3A_44 = vector.shape_cast %reduce_max3A_43 : vector<1000xf32> to vector<1000x1xf32>
    %sub3A = vector.broadcast %broadcast_in_dim3A_44 : vector<1000x1xf32> to vector<1000x128xf32>
    %sub3A_45 = arith.subf %select_n3A, %sub3A : vector<1000x128xf32>
    %exp3A = math.exp %sub3A_45 : vector<1000x128xf32>
    %jit3A_46 = arith.constant 0.000000e+00 : f32
    %broadcast_in_dim3A_47 = vector.broadcast %jit3A_46 : f32 to vector<1000x128xf32>
    %select_n3A_48 = arith.select %lt3A_42, %exp3A, %broadcast_in_dim3A_47 : vector<1000x128xi1>, vector<1000x128xf32>
    %reduce_sum3A = arith.constant dense<0.000000e+00> : vector<1000xf32>
    %reduce_sum3A_49 = vector.multi_reduction <add>, %select_n3A_48, %reduce_sum3A [1] : vector<1000x128xf32> to vector<1000xf32>
    %broadcast_in_dim3A_50 = vector.shape_cast %reduce_sum3A_49 : vector<1000xf32> to vector<1000x1xf32>
    %sub3A_51 = vector.broadcast %broadcast_in_dim3A_44 : vector<1000x1xf32> to vector<1000x128xf32>
    %sub3A_52 = arith.subf %select_n3A, %sub3A_51 : vector<1000x128xf32>
    %log3A = math.log %broadcast_in_dim3A_50 : vector<1000x1xf32>
    %sub3A_53 = vector.broadcast %log3A : vector<1000x1xf32> to vector<1000x128xf32>
    %sub3A_54 = arith.subf %sub3A_52, %sub3A_53 : vector<1000x128xf32>
    %slice3A = vector.extract_strided_slice %sub3A_54 {offsets = [0, 0], sizes = [1000, 47], strides = [1, 1]} : vector<1000x128xf32> to vector<1000x47xf32>
    %swap3A = arith.constant 0 : index
    %swap3A_55 = arith.constant 0 : index
    %swap3A_56 = vector.load %arg7[%swap3A, %swap3A_55] : memref<1000x47xf32, #tpu.memory_space<vmem>>, vector<1000x47xf32>
    tpu.vector_store %arg7[%swap3A, %swap3A_55], %slice3A {strides = array<i32>} : memref<1000x47xf32, #tpu.memory_space<vmem>>, vector<1000x47xf32>,
    return
  }
  func.func @transform_0(%arg0: i32) -> (i32, i32, i32) {
    %c0_i32 = arith.constant 0 : i32
    %c0_i32_0 = arith.constant 0 : i32
    %c0_i32_1 = arith.constant 0 : i32
    return %c0_i32, %arg0, %c0_i32_0 : i32, i32, i32
  }
  func.func @transform_1(%arg0: i32) -> (i32, i32, i32) {
    %c0_i32 = arith.constant 0 : i32
    %c0_i32_0 = arith.constant 0 : i32
    %c0_i32_1 = arith.constant 0 : i32
    return %c0_i32, %arg0, %c0_i32_0 : i32, i32, i32
  }
  func.func @transform_2(%arg0: i32) -> (i32, i32) {
    %c0_i32 = arith.constant 0 : i32
    %c0_i32_0 = arith.constant 0 : i32
    return %arg0, %c0_i32 : i32, i32
  }
  func.func @transform_3(%arg0: i32) -> (i32, i32) {
    %c0_i32 = arith.constant 0 : i32
    %c0_i32_0 = arith.constant 0 : i32
    %c0_i32_1 = arith.constant 0 : i32
    return %c0_i32, %c0_i32_0 : i32, i32
  }
  func.func @transform_4(%arg0: i32) -> (i32, i32) {
    %c0_i32 = arith.constant 0 : i32
    %c0_i32_0 = arith.constant 0 : i32
    %c0_i32_1 = arith.constant 0 : i32
    return %c0_i32, %c0_i32_0 : i32, i32
  }
  func.func @transform_5(%arg0: i32) -> (i32, i32) {
    %c0_i32 = arith.constant 0 : i32
    %c0_i32_0 = arith.constant 0 : i32
    %c0_i32_1 = arith.constant 0 : i32
    return %c0_i32, %c0_i32_0 : i32, i32
  }
  func.func @transform_6(%arg0: i32) -> (i32, i32) {
    %c0_i32 = arith.constant 0 : i32
    %c0_i32_0 = arith.constant 0 : i32
    return %arg0, %c0_i32 : i32, i32
  }
}

</mosaic_0001>

<sc_bundles>
// kernel: kernel.11.cloned.1.call-start
scs
__scs_entry_jumppad:
0x0: {  	(pc) =	sbr.rel $0x88, $3  }
0x1: {  	(tag) =	ssettag $0x0;
	lr =	simm.s32 $0x1  }
0x2: {  	[smem:$0x3F96] =	sst lr;
	_ =	strace $0xD0000000  }
0x3: {  	_ = 	snop  }
0x4: {  	_ = 	snop  }
0x5: {  	_ = 	snop  }
0x6: {  	_ = 	snop  }
0x7: {  	_ = 	snop  }
__scs_overlays_trampoline_lowered:
0x8: {  	[smem:$0x3FA5] =	sst s0  }
0x9: {  	[smem:$0x3FA6] =	sst s1  }
0xa: {  	[smem:$0x3FA7] =	sst s2  }
0xb: {  	[smem:$0x3FA8] =	sst s3  }
0xc: {  	[smem:$0x3FA9] =	sst s4  }
0xd: {  	[smem:$0x3FAA] =	sst s5  }
0xe: {  	[smem:$0x3FAB] =	sst s6  }
0xf: {  	[smem:$0x3FAC] =	sst s7  }
0x10: {  	[smem:$0x3FAD] =	sst s8  }
0x11: {  	[smem:$0x3FAE] =	sst s9;
	s0 =	simm.s32 @!p0 $0x0  }
0x12: {  	s1 =	sld [smem:$0x3F94];
	s0 =	simm.s32 @p0 $0x1  }
0x13: {  	[smem:$0x3FAF] =	sst s0;
	s0 =	simm.s32 @!p1 $0x0  }
0x14: {  	s2 =	sld [smem:$0x3F93];
	s0 =	simm.s32 @p1 $0x1  }
0x15: {  	[smem:$0x3FB0] =	sst s0;
	s0 =	simm.s32 @!p2 $0x0  }
0x16: {  	s3 =	sld [smem:$0x3FDB];
	s0 =	simm.s32 @p2 $0x1  }
0x17: {  	s4 =	simm.s32 $0x1BF5;
	[smem:$0x3FB2] =	sst s0  }
0x18: {  	s0 =	sld [smem:$0x3F95];
	_ =	swait.ge [sflag:s4], $0x0  }
0x19: {  	s7 =	sld [smem:$0x3F96]  }
0x1a: {  	s8 =	sadd.s32 $0xFFFFE003, lr  }
0x1b: {  	s9 =	sadd.s32 $0xFFFFFEF7, lr;
	s5 =	simm.s32 $0xFFFFFFFF;
	p2 =	slt.u32 s8, $0xFFFFF086  }
0x1c: {  	p1 =	slt.u32 s9, $0xF7A;
	s5 =	simm.s32 @!p2 $0x0  }
0x1d: {  	s5 =	simm.s32 @p1 $0x1;
	p0 =	seq.s32 s7, s2  }
0x1e: {  	s7 =	smul.u32 @!p0 $0xF7A, s2;
	p2 =	seq.s32 @!p0 s5, $0x0  }
0x1f: {  	s9 =	smul.u32 $0xF7A, s1;
	s8 =	simm.s32 @!p0 $0x1BF5;
	p2 =	por !p2, p0  }
0x20: {  	[sflag:s8] =	ssyncset.s32 @!p0 $0xFFFFF086;
	s6 =	sadd.s32 @!p0 s3, s7;
	s7 =	simm.s32 @!p0 $0x108  }
0x21: {  	s3 =	sadd.s32 s3, s9;
	s6 =	sadd.s32 @!p0 $0x88, s6;
	s7 =	simm.s32 @p2 $0x1082  }
0x22: {  	[simem:s7], [sflag:s8] =	dma.local @!p0 [hbm:s6], $0xF7A  }
0x23: {  	s9 =	sor.u32 $0xD0000000, s2;
	s6 =	simm.s32 $0x108;
	_ =	swait.ge @!p0 [sflag:s8], $0x0  }
0x24: {  	s3 =	sadd.s32 $0x88, s3;
	s6 =	simm.s32 @!p1 $0x1082;
	[sflag:s4] =	ssyncset.s32 $0xFFFFF086  }
0x25: {  	[simem:s6], [sflag:s4] =	dma.local [hbm:s3], $0xF7A  }
0x26: {  	[smem:$0x3F96] =	sst s1;
	(tag) =	ssettag s2;
	_ =	strace s9  }
0x27: {  	s1 =	sld [smem:$0x3FA6]  }
0x28: {  	s2 =	sld [smem:$0x3FA7]  }
0x29: {  	s4 =	sld [smem:$0x3FA9]  }
0x2a: {  	p0 =	seq.s32 s5, $0x0;
	s5 =	sld [smem:$0x3FAA]  }
0x2b: {  	s6 =	sld [smem:$0x3FAB]  }
0x2c: {  	s7 =	sld [smem:$0x3FAC]  }
0x2d: {  	s3 =	simm.s32 $0x108;
	s8 =	sld [smem:$0x3FAD]  }
0x2e: {  	s3 =	simm.s32 @!p0 $0x1082;
	s9 =	sld [smem:$0x3FAE]  }
0x2f: {  	lr =	sadd.s32 s0, s3;
	s0 =	sld [smem:$0x3FA5]  }
0x30: {  	s3 =	sld [smem:$0x3FA8]  }
0x31: {  	[smem:$0x3FB1] =	sst s10  }
0x32: {  	s10 =	sld [smem:$0x3FAF];
	_ =	sdelay $0x3  }
0x33: {  	p0 =	seq.s32 s10, $0x1;
	s10 =	sld [smem:$0x3FB1];
	_ =	sdelay $0x3  }
0x34: {  	[smem:$0x3FB1] =	sst s10  }
0x35: {  	s10 =	sld [smem:$0x3FB0];
	_ =	sdelay $0x3  }
0x36: {  	p1 =	seq.s32 s10, $0x1;
	s10 =	sld [smem:$0x3FB1];
	_ =	sdelay $0x3  }
0x37: {  	[smem:$0x3FB1] =	sst s10  }
0x38: {  	s10 =	sld [smem:$0x3FB2]  }
0x39: {  	_ = 	snop;
	(pc) =	sbr.ind lr, $3  }
0x3a: {  	_ = 	snop  }
0x3b: {  	_ = 	snop  }
0x3c: {  	p2 =	seq.s32 s10, $0x1;
	s10 =	sld [smem:$0x3FB1]  }
0x3d: {  	_ =	shalt  }
0x3e: {  	_ =	shalt  }
0x3f: {  	_ =	shalt  }
0x40: {  	_ =	shalt  }
0x41: {  	_ =	shalt  }
0x42: {  	_ =	shalt  }
0x43: {  	_ =	shalt  }
0x44: {  	_ =	shalt  }
0x45: {  	_ =	shalt  }
0x46: {  	_ =	shalt  }
0x47: {  	_ =	shalt  }
0x48: {  	_ =	shalt  }
0x49: {  	_ =	shalt  }
0x4a: {  	_ =	shalt  }
0x4b: {  	_ =	shalt  }
0x4c: {  	_ =	shalt  }
0x4d: {  	_ =	shalt  }
0x4e: {  	_ =	shalt  }
0x4f: {  	_ =	shalt  }
0x50: {  	_ =	shalt  }
0x51: {  	_ =	shalt  }
0x52: {  	_ =	shalt  }
0x53: {  	_ =	shalt  }
0x54: {  	_ =	shalt  }
0x55: {  	_ =	shalt  }
0x56: {  	_ =	shalt  }
0x57: {  	_ =	shalt  }
0x58: {  	_ =	shalt  }
0x59: {  	_ =	shalt  }
0x5a: {  	_ =	shalt  }
0x5b: {  	_ =	shalt  }
0x5c: {  	_ =	shalt  }
0x5d: {  	_ =	shalt  }
0x5e: {  	_ =	shalt  }
0x5f: {  	_ =	shalt  }
0x60: {  	_ =	shalt  }
0x61: {  	_ =	shalt  }
0x62: {  	_ =	shalt  }
0x63: {  	_ =	shalt  }
0x64: {  	_ =	shalt  }
0x65: {  	_ =	shalt  }
0x66: {  	_ =	shalt  }
0x67: {  	_ =	shalt  }
0x68: {  	_ =	shalt  }
0x69: {  	_ =	shalt  }
0x6a: {  	_ =	shalt  }
0x6b: {  	_ =	shalt  }
0x6c: {  	_ =	shalt  }
0x6d: {  	_ =	shalt  }
0x6e: {  	_ =	shalt  }
0x6f: {  	_ =	shalt  }
0x70: {  	_ =	shalt  }
0x71: {  	_ =	shalt  }
0x72: {  	_ =	shalt  }
0x73: {  	_ =	shalt  }
0x74: {  	_ =	shalt  }
0x75: {  	_ =	shalt  }
0x76: {  	_ =	shalt  }
0x77: {  	_ =	shalt  }
0x78: {  	_ =	shalt  }
0x79: {  	_ =	shalt  }
0x7a: {  	_ =	shalt  }
0x7b: {  	_ =	shalt  }
0x7c: {  	_ =	shalt  }
0x7d: {  	_ =	shalt  }
0x7e: {  	_ =	shalt  }
0x7f: {  	_ =	shalt  }
0x80: {  	_ =	shalt  }
0x81: {  	_ =	shalt  }
0x82: {  	_ =	shalt  }
0x83: {  	_ =	shalt  }
0x84: {  	_ =	shalt  }
0x85: {  	_ =	shalt  }
0x86: {  	_ =	shalt  }
0x87: {  	_ =	shalt  }
.Lfunc_end0:
.L_simem_size_0:
called_computation.1_lowered:
.L_overlay_start_0:
0x88: {  	s2 =	sld [smem:$0x3FD9]  }
0x89: {  	s3 =	sld [smem:$0x3FFE];
	_ =	sdelay $0x1  }
0x8a: {  	s1 =	srdreg.scid  }
0x8b: {  	s0 =	sand.u32 $0x1, s1  }
0x8c: {  	s17 =	sshll.u32 s0, $0xA;
	s2 =	sadd.s32 s3, s2  }
0x8d: {  	s2 =	sadd.s32 s2, s17  }
0x8e: {  	[smem:$0x3FBD] =	sst s2  }
0x8f: {  	_ = 	snop  }
0x90: {  	s2 =	sld [smem:$0x3FD0];
	(tm) =	ssettm $0x1  }
0x91: {  	s18 =	sld [smem:$0x3FFB];
	_ =	sdelay $0x3  }
0x92: {  	_ =	strace s18  }
0x93: {  	s3 =	sld [smem:$0x3FFC];
	_ =	sdelay $0x3  }
0x94: {  	_ =	strace s3  }
0x95: {  	s3 =	sld [smem:$0x3FFD];
	_ =	sdelay $0x3  }
0x96: {  	_ =	strace s3  }
0x97: {  	_ =	strace $0x8FFFFFFF  }
0x98: {  	s19 =	sld [smem:$0x3FDB];
	_ =	sdelay $0x1  }
0x99: {  	s4 =	simm.s32 $_scs_section_size  }
0x9a: {  	s5 =	simm.s32 $_size__tile_overlayer_lowered;
	s6 =	simm.s32 $_tile_overlayer_lowered  }
0x9b: {  	s22 =	simm.s32 $0x1BFF;
	s21 =	sshll.u32 s6, $0x1;
	s3 =	sadd.s32 s4, s19  }
0x9c: {  	s7 =	simm.s32 $0x0;
	s20 =	sshll.u32 s5, $0x1;
	s5 =	sadd.s32 s21, s3  }
0x9d: {  	[timem:s7], [sflag:s22] =	dma.local [hbm:s5], s20  }
0x9e: {  	_ =	swait.ge [sflag:s22], s20  }
0x9f: {  	s4 =	ssub.s32 $0x0, s20;
	[sflag:s22] =	ssyncset.done $0x0  }
0xa0: {  	[sflag:s22] =	ssyncadd.s32 s4;
	_ =	sdelay $0x1  }
0xa1: {  	s23 =	simm.s32 $0x1B8B  }
0xa2: {  	_ =	swait.ge [sflag:s23], $0x1  }
0xa3: {  	[sflag:s23] =	ssyncset.done $0x0  }
0xa4: {  	s25 =	simm.s32 $0x1B8E;
	s24 =	sld [smem:$0x3FFE];
	[sflag:s23] =	ssyncadd.s32 $0xFFFFFFFF  }
0xa5: {  	s26 =	simm.s32 $execute0_lowered;
	[smem:$0x3FD2] =	sst s25  }
0xa6: {  	s5 =	sshll.u32 s26, $0x1;
	_ =	strace $0x80000049;
	[dreg:$0x1] =	wrdreg $0xFFFFFFFF  }
0xa7: {  	s28 =	simm.s32 $_size_execute0_lowered;
	s3 =	sadd.s32 s3, s5;
	[dreg:$0x0] =	wrdreg $0x0  }
0xa8: {  	s5 =	sshll.u32 s28, $0x1;
	[dreg:$0x2] =	wrdreg s3  }
0xa9: {  	[dreg:$0x3] =	wrdreg s5  }
0xaa: {  	[dreg:$0x4] =	wrdreg $0xC0  }
0xab: {  	_ =	task [dreg:s7], $0x5FFFF  }
0xac: {  	[dreg:$0x1] =	wrdreg $0xFFFFFFFF  }
0xad: {  	[dreg:$0x0] =	wrdreg $0x60  }
0xae: {  	[dreg:$0x2] =	wrdreg s24  }
0xaf: {  	[dreg:$0x3] =	wrdreg s2  }
0xb0: {  	[dreg:$0x4] =	wrdreg $0x49000  }
0xb1: {  	[dreg:$0x5] =	wrdreg $0x9  }
0xb2: {  	_ =	task.clear_ibuf [dreg:s7], $0x6FFFF;
	_ =	strace $0x90000049  }
0xb3: {  	s29 =	simm.s32 $0x9;
	_ =	strace $0x8000004B  }
0xb4: {  	_ =	swait.ge [sflag:s29], $0x1  }
0xb5: {  	[sflag:s29] =	ssyncadd.s32 $0xFFFFFFFF  }
0xb6: {  	_ =	strace $0x9000004B  }
0xb7: {  	_ =	sfence  }
0xb8: {  	s30 =	sld [smem:$0x0];
	_ =	sdelay $0x2  }
0xb9: {  	s31 =	sshll.u32 s1, $0xD;
	s1 =	sshrl.u32 s1, $0x2  }
0xba: {  	s3 =	sand.u32 $0x4000, s31;
	s1 =	sadd.s32 s1, s30  }
0xbb: {  	s0 =	sor.u32 s3, s0;
	s1 =	sshll.u32 s1, $0x11  }
0xbc: {  	s0 =	sor.u32 s1, s0  }
0xbd: {  	s0 =	sadd.s32 $0x8F2B, s0  }
0xbe: {  	[sflag:s0] =	ssyncadd.remote.s32 $0x1  }
0xbf: {  	_ =	sfence.sel $0xFFFF  }
0xc0: {  	[dreg:$0x0] =	wrdreg $0xFFFFFFFF;
	(pc) =	sbr.abs _section_cstart, $3  }
0xc1: {  	[dreg:$0x1] =	wrdreg $0xFFFFFFFF  }
0xc2: {  	_ =	task.clear_ibuf [dreg:s7], $0x2FFFF;
	_ =	strace $0x9FFFFFFF  }
0xc3: {  	(tm) =	ssettm $0x7FFFFFFF  }
tec
execute0_lowered:
.L_overlay_start_1:
0x0: {  	(tag) =	ssettag $0x1  }
0x1: {  	s5 =	rddreg [dreg:$0x0];
	s1 =	srdreg.scid  }
0x2: {  	s0 =	stileid.u32;
	s17 =	rddreg [dreg:$0x1]  }
0x3: {  	s2 =	rddreg [dreg:$0x2];
	s3 =	simm.s32 $0x0;
	s20 =	simm.s32 $0x1  }
0x4: {  	s21 =	simm.s32 $0x80;
	s22 =	simm.s32 $0x50;
	s7 =	smul.u32 $0x4E20, s0  }
0x5: {  	s23 =	simm.s32 $0x100;
	s6 =	sand.u32 $0x1, s1;
	s10 =	smul.u32 $0x14000, s0  }
0x6: {  	s24 =	simm.s32 $0x0;
	s1 =	rddreg [dreg:$0x3];
	s8 =	smul.u32 $0x2710, s6  }
0x7: {  	[smem:$0x7FF] =	sst s3;
	s4 =	sadd.s32 $0xCA00, s5;
	s9 =	smul.u32 $0x140000, s6  }
0x8: {  	s29 =	smul.u32 $0x50000, s0;
	_ =	strace $0x8000004A;
	s6 =	ssub.s32 $0x2, s6  }
0x9: {  	s30 =	sshrl.u32 s6, $0x1;
	s7 =	sadd.s32 s8, s7;
	s28 =	sadd.s32 s10, s9  }
0xa: {  	s8 =	sshrl.u32 s29, $0x2;
	s18 =	sshrl.u32 s7, $0x3;
	s7 =	sshrl.u32 s28, $0x3  }
0xb: {  	s31 =	ssub.s32 s6, s30;
	s19 =	sadd.s32 s18, s5;
	s7 =	sadd.s32 s7, s5  }
0xc: {  	s5 =	sadd.s32 s8, s2;
	s17 =	sadd.s32 s18, s17;
	s6 =	sadd.s32 $0xAD400, s7  }
0xd: {  	s7 =	smax.u32 s31, $0x1;
	s8 =	sadd.s32 $0x2000, s5;
	s9 =	sadd.s32 $0x4000, s5  }
0xe: {  	s10 =	sadd.s32 $0x6000, s5;
	s11 =	sadd.s32 $0x8000, s5;
	s12 =	sadd.s32 $0xA000, s5  }
0xf: {  	s13 =	sadd.s32 $0xC000, s5;
	s14 =	sadd.s32 $0xE000, s5;
	s15 =	sadd.s32 $0x10000, s5  }
0x10: {  	v0 =	vimm.f32 $0.0e+00;
	s16 =	sadd.s32 $0x12000, s5;
	s18 =	sadd.s32 $0x2C00, s19;
	s19 =	simm.s32 $0x2900  }
.LBB2_1:
0x11: {  	s25 =	simm.s32 $0x0;
	s26 =	simm.s32 $0x200  }
.LBB2_2:
0x12: {  	p0 =	sne.s32 s26, $0x7E00;
	[tilespmem:s25+$0x2970] =	vst v0  }
0x13: {  	[tilespmem:s25+$0x2900] =	vst v0  }
0x14: {  	[tilespmem:s25+$0x2910] =	vst v0  }
.Ltmp0:
0x15: {  	[tilespmem:s25+$0x2920] =	vst v0;
	(pc) =	sbr.rel @p0 .LBB2_2-.Ltmp0, $4  }
0x16: {  	[tilespmem:s25+$0x2930] =	vst v0  }
0x17: {  	[tilespmem:s25+$0x2940] =	vst v0  }
0x18: {  	[tilespmem:s25+$0x2950] =	vst v0  }
0x19: {  	[tilespmem:s25+$0x2960] =	vst v0;
	s25 =	sshra.s32 s26, $0x2;
	s26 =	sadd.s32 $0x200, s26  }
0x1a: {  	[tilespmem:s25+$0x2970] =	vst v0  }
0x1b: {  	[tilespmem:s25+$0x2900] =	vst v0  }
0x1c: {  	[tilespmem:s25+$0x2910] =	vst v0  }
0x1d: {  	[tilespmem:s25+$0x2920] =	vst v0  }
0x1e: {  	[tilespmem:s25+$0x2930] =	vst v0  }
0x1f: {  	[tilespmem:s25+$0x2940] =	vst v0  }
0x20: {  	[tilespmem:s25+$0x2950] =	vst v0  }
0x21: {  	[tilespmem:s25+$0x2960] =	vst v0  }
0x22: {  	[spmem:s5] =	stream.linear.scatter [tilespmem:s19], [sflag:$0x1], $0x2000, $0x38;
	[tilespmem:$0x18900] =	vst v63  }
0x23: {  	_ =	swait.ge [sflag:s20], $0x2000  }
0x24: {  	[sflag:s20] =	ssyncset.done $0x0  }
0x25: {  	[sflag:s20] =	ssyncadd.s32 $0xFFFFE000  }
0x26: {  	[spmem:s8] =	stream.linear.scatter [tilespmem:s19], [sflag:$0x1], $0x2000, $0x38;
	[tilespmem:$0x18900] =	vst v63  }
0x27: {  	_ =	swait.ge [sflag:s20], $0x2000  }
0x28: {  	[sflag:s20] =	ssyncset.done $0x0  }
0x29: {  	[sflag:s20] =	ssyncadd.s32 $0xFFFFE000  }
0x2a: {  	[spmem:s9] =	stream.linear.scatter [tilespmem:s19], [sflag:$0x1], $0x2000, $0x38;
	[tilespmem:$0x18900] =	vst v63  }
0x2b: {  	_ =	swait.ge [sflag:s20], $0x2000  }
0x2c: {  	[sflag:s20] =	ssyncset.done $0x0  }
0x2d: {  	[sflag:s20] =	ssyncadd.s32 $0xFFFFE000  }
0x2e: {  	[spmem:s10] =	stream.linear.scatter [tilespmem:s19], [sflag:$0x1], $0x2000, $0x38;
	[tilespmem:$0x18900] =	vst v63  }
0x2f: {  	_ =	swait.ge [sflag:s20], $0x2000  }
0x30: {  	[sflag:s20] =	ssyncset.done $0x0  }
0x31: {  	[sflag:s20] =	ssyncadd.s32 $0xFFFFE000  }
0x32: {  	[spmem:s11] =	stream.linear.scatter [tilespmem:s19], [sflag:$0x1], $0x2000, $0x38;
	[tilespmem:$0x18900] =	vst v63  }
0x33: {  	_ =	swait.ge [sflag:s20], $0x2000  }
0x34: {  	[sflag:s20] =	ssyncset.done $0x0  }
0x35: {  	[sflag:s20] =	ssyncadd.s32 $0xFFFFE000  }
0x36: {  	[spmem:s12] =	stream.linear.scatter [tilespmem:s19], [sflag:$0x1], $0x2000, $0x38;
	[tilespmem:$0x18900] =	vst v63  }
0x37: {  	_ =	swait.ge [sflag:s20], $0x2000  }
0x38: {  	[sflag:s20] =	ssyncset.done $0x0  }
0x39: {  	[sflag:s20] =	ssyncadd.s32 $0xFFFFE000  }
0x3a: {  	[spmem:s13] =	stream.linear.scatter [tilespmem:s19], [sflag:$0x1], $0x2000, $0x38;
	[tilespmem:$0x18900] =	vst v63  }
0x3b: {  	_ =	swait.ge [sflag:s20], $0x2000  }
0x3c: {  	[sflag:s20] =	ssyncset.done $0x0  }
0x3d: {  	[sflag:s20] =	ssyncadd.s32 $0xFFFFE000  }
0x3e: {  	[spmem:s14] =	stream.linear.scatter [tilespmem:s19], [sflag:$0x1], $0x2000, $0x38;
	[tilespmem:$0x18900] =	vst v63  }
0x3f: {  	_ =	swait.ge [sflag:s20], $0x2000  }
0x40: {  	[sflag:s20] =	ssyncset.done $0x0  }
0x41: {  	[sflag:s20] =	ssyncadd.s32 $0xFFFFE000  }
0x42: {  	[spmem:s15] =	stream.linear.scatter [tilespmem:s19], [sflag:$0x1], $0x2000, $0x38;
	[tilespmem:$0x18900] =	vst v63  }
0x43: {  	_ =	swait.ge [sflag:s20], $0x2000  }
0x44: {  	[sflag:s20] =	ssyncset.done $0x0  }
0x45: {  	[sflag:s20] =	ssyncadd.s32 $0xFFFFE000  }
0x46: {  	[spmem:s16] =	stream.linear.scatter [tilespmem:s19], [sflag:$0x1], $0x2000, $0x38;
	[tilespmem:$0x18900] =	vst v63  }
0x47: {  	_ =	swait.ge [sflag:s20], $0x2000  }
0x48: {  	[sflag:s20] =	ssyncset.done $0x0  }
0x49: {  	[sflag:s20] =	ssyncadd.s32 $0xFFFFE000  }
0x4a: {  	s30 =	sadd.s32 $0x0, s18;
	[bflag:$0x0] =	sbarrier.arrive $0xFFFF  }
0x4b: {  	[tilespmem:s3], [sflag:$0x1] =	stream.linear.gather [hbm4b:s30+s3], $0x50, $0x38;
	[tilespmem:$0x18900] =	vst v63  }
0x4c: {  	_ =	swait.ge [sflag:s20], $0x50  }
0x4d: {  	[sflag:s20] =	ssyncset.done $0x0  }
0x4e: {  	s31 =	sadd.s32 $0x0, s17;
	[sflag:s20] =	ssyncadd.s32 $0xFFFFFFB0  }
0x4f: {  	[tilespmem:s21], [sflag:$0x1] =	stream.linear.gather [hbm4b:s31+s3], $0x50, $0x38;
	[tilespmem:$0x18900] =	vst v63  }
0x50: {  	_ =	swait.ge [sflag:s20], $0x50  }
0x51: {  	[sflag:s20] =	ssyncset.done $0x0  }
0x52: {  	[sflag:s20] =	ssyncadd.s32 $0xFFFFFFB0  }
0x53: {  	[tilespmem:s23], [sflag:$0x1] =	stream.indirect.gather [hbm4b:s4+s22], $0x80, s3, s22, $0xb8;
	[tilespmem:$0x18900] =	vst v63  }
0x54: {  	_ =	swait.ge [sflag:s20], $0x2800  }
0x55: {  	[sflag:s20] =	ssyncset.done $0x0  }
0x56: {  	[sflag:s20] =	ssyncadd.s32 $0xFFFFD800  }
0x57: {  	[spmem:s2] =	stream.indirect.scatter.add.f32 [tilespmem:s23], [sflag:$0x1], $0x80, s21, s22, $0xb8;
	[tilespmem:$0x18900] =	vst v63  }
0x58: {  	_ =	swait.ge [sflag:s20], $0x2800  }
0x59: {  	s25 =	simm.s32 $0xA;
	s26 =	simm.s32 $0x14;
	[sflag:s20] =	ssyncset.done $0x0  }
.LBB2_4:
0x5a: {  	s28 =	sadd.s32 s25, s18  }
0x5b: {  	[sflag:s20] =	ssyncadd.s32 $0xFFFFD800;
	s29 =	smov.u32 s26;
	s30 =	sadd.s32 $0xA, s26  }
0x5c: {  	[tilespmem:s3], [sflag:$0x1] =	stream.linear.gather [hbm4b:s28+s3], $0x50, $0x38;
	[tilespmem:$0x18900] =	vst v63  }
0x5d: {  	p0 =	sne.s32 s26, $0x4D8;
	_ =	swait.ge [sflag:s20], $0x50  }
0x5e: {  	[sflag:s20] =	ssyncset.done $0x0  }
0x5f: {  	s26 =	sadd.s32 s25, s17;
	s25 =	smov.u32 s29;
	[sflag:s20] =	ssyncadd.s32 $0xFFFFFFB0  }
0x60: {  	[tilespmem:s21], [sflag:$0x1] =	stream.linear.gather [hbm4b:s26+s3], $0x50, $0x38;
	[tilespmem:$0x18900] =	vst v63  }
0x61: {  	_ =	swait.ge [sflag:s20], $0x50  }
0x62: {  	[sflag:s20] =	ssyncset.done $0x0  }
0x63: {  	[sflag:s20] =	ssyncadd.s32 $0xFFFFFFB0  }
0x64: {  	[tilespmem:s23], [sflag:$0x1] =	stream.indirect.gather [hbm4b:s4+s22], $0x80, s3, s22, $0xb8;
	[tilespmem:$0x18900] =	vst v63  }
0x65: {  	_ =	swait.ge [sflag:s20], $0x2800  }
.Ltmp1:
0x66: {  	[sflag:s20] =	ssyncset.done $0x0;
	(pc) =	sbr.rel @p0 .LBB2_4-.Ltmp1, $4  }
0x67: {  	[sflag:s20] =	ssyncadd.s32 $0xFFFFD800  }
0x68: {  	[spmem:s2] =	stream.indirect.scatter.add.f32 [tilespmem:s23], [sflag:$0x1], $0x80, s21, s22, $0xb8;
	[tilespmem:$0x18900] =	vst v63  }
0x69: {  	_ =	swait.ge [sflag:s20], $0x2800  }
0x6a: {  	s26 =	smov.u32 s30;
	[sflag:s20] =	ssyncset.done $0x0  }
0x6b: {  	s26 =	sadd.s32 s25, s18;
	[sflag:s20] =	ssyncadd.s32 $0xFFFFD800  }
0x6c: {  	[tilespmem:s3], [sflag:$0x1] =	stream.linear.gather [hbm4b:s26+s3], $0x50, $0x38;
	[tilespmem:$0x18900] =	vst v63  }
0x6d: {  	_ =	swait.ge [sflag:s20], $0x50  }
0x6e: {  	[sflag:s20] =	ssyncset.done $0x0  }
0x6f: {  	s29 =	sadd.s32 s25, s17;
	[sflag:s20] =	ssyncadd.s32 $0xFFFFFFB0  }
0x70: {  	[tilespmem:s21], [sflag:$0x1] =	stream.linear.gather [hbm4b:s29+s3], $0x50, $0x38;
	[tilespmem:$0x18900] =	vst v63  }
0x71: {  	_ =	swait.ge [sflag:s20], $0x50  }
0x72: {  	[sflag:s20] =	ssyncset.done $0x0  }
0x73: {  	[sflag:s20] =	ssyncadd.s32 $0xFFFFFFB0  }
0x74: {  	[tilespmem:s23], [sflag:$0x1] =	stream.indirect.gather [hbm4b:s4+s22], $0x80, s3, s22, $0xb8;
	[tilespmem:$0x18900] =	vst v63  }
0x75: {  	_ =	swait.ge [sflag:s20], $0x2800  }
0x76: {  	[sflag:s20] =	ssyncset.done $0x0  }
0x77: {  	[sflag:s20] =	ssyncadd.s32 $0xFFFFD800  }
0x78: {  	[spmem:s2] =	stream.indirect.scatter.add.f32 [tilespmem:s23], [sflag:$0x1], $0x80, s21, s22, $0xb8;
	[tilespmem:$0x18900] =	vst v63  }
0x79: {  	_ =	swait.ge [sflag:s20], $0x2800  }
0x7a: {  	s30 =	sshll.u32 s0, $0x6;
	s24 =	sadd.s32 $0x1, s24;
	[sflag:s20] =	ssyncset.done $0x0  }
0x7b: {  	s31 =	sshrl.u32 s5, $0x3;
	p0 =	sne.s32 s24, s7;
	[sflag:s20] =	ssyncadd.s32 $0xFFFFD800  }
.Ltmp2:
0x7c: {  	s25 =	sor.u32 $0x1C01, s30;
	[bflag:$0x0] =	sbarrier.arrive $0xFFFF;
	(pc) =	sbr.rel @p0 .LBB2_1-.Ltmp2, $4  }
0x7d: {  	[hbm:s6], [sflag:s25] =	dma.local [spmem:s31], $0x2800  }
0x7e: {  	_ =	swait.ge [sflag:s20], $0x2800  }
0x7f: {  	[sflag:s20] =	ssyncset.done $0x0  }
0x80: {  	[sflag:s20] =	ssyncadd.s32 $0xFFFFD800  }
0x81: {  	_ =	sfence.sel $0x180000  }
0x82: {  	[bflag:$0x0] =	sbarrier.arrive $0xFFFF  }
0x83: {  	p0 =	sne.s32 s0, $0x0;
	_ =	strace $0x9000004A  }
0x84: {  	s0 =	sadd.s32 @!p0 $0x100000, s1;
	[bflag:$0x2] =	sbarrier.arrive $0xFFFF  }
0x85: {  	[sflag:s0] =	ssyncadd.tile.s32 @!p0 $0x1;
	_ =	shalt  }
.Lfunc_end2:
_tile_overlayer_lowered:
.L_overlay_start_2:
0x86: {  	(tag) =	ssettag $0x2  }
0x87: {  	s0 =	rddreg [dreg:$0x0];
	s2 =	stileid.u32  }
0x88: {  	s1 =	rddreg [dreg:$0x1];
	p0 =	sne.s32 s2, $0x0  }
0x89: {  	s3 =	rddreg [dreg:$0x2];
	[bflag:$0x3] =	sbarrier.arrive $0xFFFF;
	s2 =	simm.s32 @!p0 $0x1C01  }
0x8a: {  	[timem:s3], [sflag:s2] =	dma.local @!p0 [hbm:s0], s1  }
0x8b: {  	s0 =	simm.s32 @!p0 $0x1  }
0x8c: {  	_ =	swait.ge @!p0 [sflag:s0], s1  }
0x8d: {  	s1 =	ssub.s32 @!p0 $0x0, s1;
	[sflag:s0] =	ssyncset.done @!p0 $0x0  }
0x8e: {  	[sflag:s0] =	ssyncadd.s32 @!p0 s1  }
0x8f: {  	[bflag:$0x3] =	sbarrier.arrive $0xFFFF  }
0x90: {  	_ =	shalt  }

// kernel: kernel.14.cloned.1.call-start
scs
__scs_entry_jumppad:
0x0: {  	(pc) =	sbr.rel $0x88, $3  }
0x1: {  	(tag) =	ssettag $0x0;
	lr =	simm.s32 $0x1  }
0x2: {  	[smem:$0x3F96] =	sst lr;
	_ =	strace $0xD0000000  }
0x3: {  	_ = 	snop  }
0x4: {  	_ = 	snop  }
0x5: {  	_ = 	snop  }
0x6: {  	_ = 	snop  }
0x7: {  	_ = 	snop  }
__scs_overlays_trampoline_lowered:
0x8: {  	[smem:$0x3FA5] =	sst s0  }
0x9: {  	[smem:$0x3FA6] =	sst s1  }
0xa: {  	[smem:$0x3FA7] =	sst s2  }
0xb: {  	[smem:$0x3FA8] =	sst s3  }
0xc: {  	[smem:$0x3FA9] =	sst s4  }
0xd: {  	[smem:$0x3FAA] =	sst s5  }
0xe: {  	[smem:$0x3FAB] =	sst s6  }
0xf: {  	[smem:$0x3FAC] =	sst s7  }
0x10: {  	[smem:$0x3FAD] =	sst s8  }
0x11: {  	[smem:$0x3FAE] =	sst s9;
	s0 =	simm.s32 @!p0 $0x0  }
0x12: {  	s1 =	sld [smem:$0x3F94];
	s0 =	simm.s32 @p0 $0x1  }
0x13: {  	[smem:$0x3FAF] =	sst s0;
	s0 =	simm.s32 @!p1 $0x0  }
0x14: {  	s2 =	sld [smem:$0x3F93];
	s0 =	simm.s32 @p1 $0x1  }
0x15: {  	[smem:$0x3FB0] =	sst s0;
	s0 =	simm.s32 @!p2 $0x0  }
0x16: {  	s3 =	sld [smem:$0x3FDB];
	s0 =	simm.s32 @p2 $0x1  }
0x17: {  	s4 =	simm.s32 $0x1BF5;
	[smem:$0x3FB2] =	sst s0  }
0x18: {  	s0 =	sld [smem:$0x3F95];
	_ =	swait.ge [sflag:s4], $0x0  }
0x19: {  	s7 =	sld [smem:$0x3F96]  }
0x1a: {  	s8 =	sadd.s32 $0xFFFFE003, lr  }
0x1b: {  	s9 =	sadd.s32 $0xFFFFFEF7, lr;
	s5 =	simm.s32 $0xFFFFFFFF;
	p2 =	slt.u32 s8, $0xFFFFF086  }
0x1c: {  	p1 =	slt.u32 s9, $0xF7A;
	s5 =	simm.s32 @!p2 $0x0  }
0x1d: {  	s5 =	simm.s32 @p1 $0x1;
	p0 =	seq.s32 s7, s2  }
0x1e: {  	s7 =	smul.u32 @!p0 $0xF7A, s2;
	p2 =	seq.s32 @!p0 s5, $0x0  }
0x1f: {  	s9 =	smul.u32 $0xF7A, s1;
	s8 =	simm.s32 @!p0 $0x1BF5;
	p2 =	por !p2, p0  }
0x20: {  	[sflag:s8] =	ssyncset.s32 @!p0 $0xFFFFF086;
	s6 =	sadd.s32 @!p0 s3, s7;
	s7 =	simm.s32 @!p0 $0x108  }
0x21: {  	s3 =	sadd.s32 s3, s9;
	s6 =	sadd.s32 @!p0 $0x88, s6;
	s7 =	simm.s32 @p2 $0x1082  }
0x22: {  	[simem:s7], [sflag:s8] =	dma.local @!p0 [hbm:s6], $0xF7A  }
0x23: {  	s9 =	sor.u32 $0xD0000000, s2;
	s6 =	simm.s32 $0x108;
	_ =	swait.ge @!p0 [sflag:s8], $0x0  }
0x24: {  	s3 =	sadd.s32 $0x88, s3;
	s6 =	simm.s32 @!p1 $0x1082;
	[sflag:s4] =	ssyncset.s32 $0xFFFFF086  }
0x25: {  	[simem:s6], [sflag:s4] =	dma.local [hbm:s3], $0xF7A  }
0x26: {  	[smem:$0x3F96] =	sst s1;
	(tag) =	ssettag s2;
	_ =	strace s9  }
0x27: {  	s1 =	sld [smem:$0x3FA6]  }
0x28: {  	s2 =	sld [smem:$0x3FA7]  }
0x29: {  	s4 =	sld [smem:$0x3FA9]  }
0x2a: {  	p0 =	seq.s32 s5, $0x0;
	s5 =	sld [smem:$0x3FAA]  }
0x2b: {  	s6 =	sld [smem:$0x3FAB]  }
0x2c: {  	s7 =	sld [smem:$0x3FAC]  }
0x2d: {  	s3 =	simm.s32 $0x108;
	s8 =	sld [smem:$0x3FAD]  }
0x2e: {  	s3 =	simm.s32 @!p0 $0x1082;
	s9 =	sld [smem:$0x3FAE]  }
0x2f: {  	lr =	sadd.s32 s0, s3;
	s0 =	sld [smem:$0x3FA5]  }
0x30: {  	s3 =	sld [smem:$0x3FA8]  }
0x31: {  	[smem:$0x3FB1] =	sst s10  }
0x32: {  	s10 =	sld [smem:$0x3FAF];
	_ =	sdelay $0x3  }
0x33: {  	p0 =	seq.s32 s10, $0x1;
	s10 =	sld [smem:$0x3FB1];
	_ =	sdelay $0x3  }
0x34: {  	[smem:$0x3FB1] =	sst s10  }
0x35: {  	s10 =	sld [smem:$0x3FB0];
	_ =	sdelay $0x3  }
0x36: {  	p1 =	seq.s32 s10, $0x1;
	s10 =	sld [smem:$0x3FB1];
	_ =	sdelay $0x3  }
0x37: {  	[smem:$0x3FB1] =	sst s10  }
0x38: {  	s10 =	sld [smem:$0x3FB2]  }
0x39: {  	_ = 	snop;
	(pc) =	sbr.ind lr, $3  }
0x3a: {  	_ = 	snop  }
0x3b: {  	_ = 	snop  }
0x3c: {  	p2 =	seq.s32 s10, $0x1;
	s10 =	sld [smem:$0x3FB1]  }
0x3d: {  	_ =	shalt  }
0x3e: {  	_ =	shalt  }
0x3f: {  	_ =	shalt  }
0x40: {  	_ =	shalt  }
0x41: {  	_ =	shalt  }
0x42: {  	_ =	shalt  }
0x43: {  	_ =	shalt  }
0x44: {  	_ =	shalt  }
0x45: {  	_ =	shalt  }
0x46: {  	_ =	shalt  }
0x47: {  	_ =	shalt  }
0x48: {  	_ =	shalt  }
0x49: {  	_ =	shalt  }
0x4a: {  	_ =	shalt  }
0x4b: {  	_ =	shalt  }
0x4c: {  	_ =	shalt  }
0x4d: {  	_ =	shalt  }
0x4e: {  	_ =	shalt  }
0x4f: {  	_ =	shalt  }
0x50: {  	_ =	shalt  }
0x51: {  	_ =	shalt  }
0x52: {  	_ =	shalt  }
0x53: {  	_ =	shalt  }
0x54: {  	_ =	shalt  }
0x55: {  	_ =	shalt  }
0x56: {  	_ =	shalt  }
0x57: {  	_ =	shalt  }
0x58: {  	_ =	shalt  }
0x59: {  	_ =	shalt  }
0x5a: {  	_ =	shalt  }
0x5b: {  	_ =	shalt  }
0x5c: {  	_ =	shalt  }
0x5d: {  	_ =	shalt  }
0x5e: {  	_ =	shalt  }
0x5f: {  	_ =	shalt  }
0x60: {  	_ =	shalt  }
0x61: {  	_ =	shalt  }
0x62: {  	_ =	shalt  }
0x63: {  	_ =	shalt  }
0x64: {  	_ =	shalt  }
0x65: {  	_ =	shalt  }
0x66: {  	_ =	shalt  }
0x67: {  	_ =	shalt  }
0x68: {  	_ =	shalt  }
0x69: {  	_ =	shalt  }
0x6a: {  	_ =	shalt  }
0x6b: {  	_ =	shalt  }
0x6c: {  	_ =	shalt  }
0x6d: {  	_ =	shalt  }
0x6e: {  	_ =	shalt  }
0x6f: {  	_ =	shalt  }
0x70: {  	_ =	shalt  }
0x71: {  	_ =	shalt  }
0x72: {  	_ =	shalt  }
0x73: {  	_ =	shalt  }
0x74: {  	_ =	shalt  }
0x75: {  	_ =	shalt  }
0x76: {  	_ =	shalt  }
0x77: {  	_ =	shalt  }
0x78: {  	_ =	shalt  }
0x79: {  	_ =	shalt  }
0x7a: {  	_ =	shalt  }
0x7b: {  	_ =	shalt  }
0x7c: {  	_ =	shalt  }
0x7d: {  	_ =	shalt  }
0x7e: {  	_ =	shalt  }
0x7f: {  	_ =	shalt  }
0x80: {  	_ =	shalt  }
0x81: {  	_ =	shalt  }
0x82: {  	_ =	shalt  }
0x83: {  	_ =	shalt  }
0x84: {  	_ =	shalt  }
0x85: {  	_ =	shalt  }
0x86: {  	_ =	shalt  }
0x87: {  	_ =	shalt  }
.Lfunc_end0:
.L_simem_size_0:
called_computation.2_lowered:
.L_overlay_start_0:
0x88: {  	s2 =	sld [smem:$0x3FD9]  }
0x89: {  	s3 =	sld [smem:$0x3FFE];
	_ =	sdelay $0x1  }
0x8a: {  	s1 =	srdreg.scid  }
0x8b: {  	s0 =	sand.u32 $0x1, s1  }
0x8c: {  	s17 =	sshll.u32 s0, $0xA;
	s2 =	sadd.s32 s3, s2  }
0x8d: {  	s2 =	sadd.s32 s2, s17  }
0x8e: {  	[smem:$0x3FBD] =	sst s2  }
0x8f: {  	_ = 	snop  }
0x90: {  	s2 =	sld [smem:$0x3FD0];
	(tm) =	ssettm $0x1  }
0x91: {  	s18 =	sld [smem:$0x3FFB];
	_ =	sdelay $0x3  }
0x92: {  	_ =	strace s18  }
0x93: {  	s3 =	sld [smem:$0x3FFC];
	_ =	sdelay $0x3  }
0x94: {  	_ =	strace s3  }
0x95: {  	s3 =	sld [smem:$0x3FFD];
	_ =	sdelay $0x3  }
0x96: {  	_ =	strace s3  }
0x97: {  	_ =	strace $0x8FFFFFFF  }
0x98: {  	s19 =	sld [smem:$0x3FDB];
	_ =	sdelay $0x1  }
0x99: {  	s4 =	simm.s32 $_scs_section_size  }
0x9a: {  	s5 =	simm.s32 $_size__tile_overlayer_lowered;
	s6 =	simm.s32 $_tile_overlayer_lowered  }
0x9b: {  	s22 =	simm.s32 $0x1BFF;
	s21 =	sshll.u32 s6, $0x1;
	s3 =	sadd.s32 s4, s19  }
0x9c: {  	s7 =	simm.s32 $0x0;
	s20 =	sshll.u32 s5, $0x1;
	s5 =	sadd.s32 s21, s3  }
0x9d: {  	[timem:s7], [sflag:s22] =	dma.local [hbm:s5], s20  }
0x9e: {  	_ =	swait.ge [sflag:s22], s20  }
0x9f: {  	s4 =	ssub.s32 $0x0, s20;
	[sflag:s22] =	ssyncset.done $0x0  }
0xa0: {  	[sflag:s22] =	ssyncadd.s32 s4;
	_ =	sdelay $0x1  }
0xa1: {  	s23 =	simm.s32 $0x1B8B  }
0xa2: {  	_ =	swait.ge [sflag:s23], $0x1  }
0xa3: {  	[sflag:s23] =	ssyncset.done $0x0  }
0xa4: {  	s25 =	simm.s32 $0x1B8E;
	s24 =	sld [smem:$0x3FFE];
	[sflag:s23] =	ssyncadd.s32 $0xFFFFFFFF  }
0xa5: {  	s26 =	simm.s32 $execute0_lowered;
	[smem:$0x3FD2] =	sst s25  }
0xa6: {  	s5 =	sshll.u32 s26, $0x1;
	_ =	strace $0x8000004C;
	[dreg:$0x1] =	wrdreg $0xFFFFFFFF  }
0xa7: {  	s28 =	simm.s32 $_size_execute0_lowered;
	s3 =	sadd.s32 s3, s5;
	[dreg:$0x0] =	wrdreg $0x0  }
0xa8: {  	s5 =	sshll.u32 s28, $0x1;
	[dreg:$0x2] =	wrdreg s3  }
0xa9: {  	[dreg:$0x3] =	wrdreg s5  }
0xaa: {  	[dreg:$0x4] =	wrdreg $0xC0  }
0xab: {  	_ =	task [dreg:s7], $0x5FFFF  }
0xac: {  	[dreg:$0x1] =	wrdreg $0xFFFFFFFF  }
0xad: {  	[dreg:$0x0] =	wrdreg $0x60  }
0xae: {  	[dreg:$0x2] =	wrdreg s24  }
0xaf: {  	[dreg:$0x3] =	wrdreg s2  }
0xb0: {  	[dreg:$0x4] =	wrdreg $0x49000  }
0xb1: {  	[dreg:$0x5] =	wrdreg $0x9  }
0xb2: {  	_ =	task.clear_ibuf [dreg:s7], $0x6FFFF;
	_ =	strace $0x9000004C  }
0xb3: {  	s29 =	simm.s32 $0x9;
	_ =	strace $0x8000004E  }
0xb4: {  	_ =	swait.ge [sflag:s29], $0x1  }
0xb5: {  	[sflag:s29] =	ssyncadd.s32 $0xFFFFFFFF  }
0xb6: {  	_ =	strace $0x9000004E  }
0xb7: {  	_ =	sfence  }
0xb8: {  	s30 =	sld [smem:$0x0];
	_ =	sdelay $0x2  }
0xb9: {  	s31 =	sshll.u32 s1, $0xD;
	s1 =	sshrl.u32 s1, $0x2  }
0xba: {  	s3 =	sand.u32 $0x4000, s31;
	s1 =	sadd.s32 s1, s30  }
0xbb: {  	s0 =	sor.u32 s3, s0;
	s1 =	sshll.u32 s1, $0x11  }
0xbc: {  	s0 =	sor.u32 s1, s0  }
0xbd: {  	s0 =	sadd.s32 $0x8F2B, s0  }
0xbe: {  	[sflag:s0] =	ssyncadd.remote.s32 $0x1  }
0xbf: {  	_ =	sfence.sel $0xFFFF  }
0xc0: {  	[dreg:$0x0] =	wrdreg $0xFFFFFFFF;
	(pc) =	sbr.abs _section_cstart, $3  }
0xc1: {  	[dreg:$0x1] =	wrdreg $0xFFFFFFFF  }
0xc2: {  	_ =	task.clear_ibuf [dreg:s7], $0x2FFFF;
	_ =	strace $0x9FFFFFFF  }
0xc3: {  	(tm) =	ssettm $0x7FFFFFFF  }
tec
execute0_lowered:
.L_overlay_start_1:
0x0: {  	(tag) =	ssettag $0x1  }
0x1: {  	s5 =	rddreg [dreg:$0x0];
	s1 =	srdreg.scid  }
0x2: {  	s0 =	stileid.u32;
	s17 =	rddreg [dreg:$0x1]  }
0x3: {  	s2 =	rddreg [dreg:$0x2];
	s3 =	simm.s32 $0x0;
	s20 =	simm.s32 $0x1  }
0x4: {  	s21 =	simm.s32 $0x80;
	s22 =	simm.s32 $0x50;
	s7 =	smul.u32 $0x4E20, s0  }
0x5: {  	s23 =	simm.s32 $0x100;
	s6 =	sand.u32 $0x1, s1;
	s10 =	smul.u32 $0x14000, s0  }
0x6: {  	s24 =	simm.s32 $0x0;
	s1 =	rddreg [dreg:$0x3];
	s8 =	smul.u32 $0x2710, s6  }
0x7: {  	[smem:$0x7FF] =	sst s3;
	s4 =	sadd.s32 $0xCA00, s5;
	s9 =	smul.u32 $0x140000, s6  }
0x8: {  	s29 =	smul.u32 $0x50000, s0;
	_ =	strace $0x8000004D;
	s6 =	ssub.s32 $0x2, s6  }
0x9: {  	s30 =	sshrl.u32 s6, $0x1;
	s7 =	sadd.s32 s8, s7;
	s28 =	sadd.s32 s10, s9  }
0xa: {  	s8 =	sshrl.u32 s29, $0x2;
	s18 =	sshrl.u32 s7, $0x3;
	s7 =	sshrl.u32 s28, $0x3  }
0xb: {  	s31 =	ssub.s32 s6, s30;
	s19 =	sadd.s32 s18, s5;
	s7 =	sadd.s32 s7, s5  }
0xc: {  	s5 =	sadd.s32 s8, s2;
	s17 =	sadd.s32 s18, s17;
	s6 =	sadd.s32 $0xAD400, s7  }
0xd: {  	s7 =	smax.u32 s31, $0x1;
	s8 =	sadd.s32 $0x2000, s5;
	s9 =	sadd.s32 $0x4000, s5  }
0xe: {  	s10 =	sadd.s32 $0x6000, s5;
	s11 =	sadd.s32 $0x8000, s5;
	s12 =	sadd.s32 $0xA000, s5  }
0xf: {  	s13 =	sadd.s32 $0xC000, s5;
	s14 =	sadd.s32 $0xE000, s5;
	s15 =	sadd.s32 $0x10000, s5  }
0x10: {  	v0 =	vimm.f32 $0.0e+00;
	s16 =	sadd.s32 $0x12000, s5;
	s18 =	sadd.s32 $0x2C00, s19;
	s19 =	simm.s32 $0x2900  }
.LBB2_1:
0x11: {  	s25 =	simm.s32 $0x0;
	s26 =	simm.s32 $0x200  }
.LBB2_2:
0x12: {  	p0 =	sne.s32 s26, $0x7E00;
	[tilespmem:s25+$0x2970] =	vst v0  }
0x13: {  	[tilespmem:s25+$0x2900] =	vst v0  }
0x14: {  	[tilespmem:s25+$0x2910] =	vst v0  }
.Ltmp0:
0x15: {  	[tilespmem:s25+$0x2920] =	vst v0;
	(pc) =	sbr.rel @p0 .LBB2_2-.Ltmp0, $4  }
0x16: {  	[tilespmem:s25+$0x2930] =	vst v0  }
0x17: {  	[tilespmem:s25+$0x2940] =	vst v0  }
0x18: {  	[tilespmem:s25+$0x2950] =	vst v0  }
0x19: {  	[tilespmem:s25+$0x2960] =	vst v0;
	s25 =	sshra.s32 s26, $0x2;
	s26 =	sadd.s32 $0x200, s26  }
0x1a: {  	[tilespmem:s25+$0x2970] =	vst v0  }
0x1b: {  	[tilespmem:s25+$0x2900] =	vst v0  }
0x1c: {  	[tilespmem:s25+$0x2910] =	vst v0  }
0x1d: {  	[tilespmem:s25+$0x2920] =	vst v0  }
0x1e: {  	[tilespmem:s25+$0x2930] =	vst v0  }
0x1f: {  	[tilespmem:s25+$0x2940] =	vst v0  }
0x20: {  	[tilespmem:s25+$0x2950] =	vst v0  }
0x21: {  	[tilespmem:s25+$0x2960] =	vst v0  }
0x22: {  	[spmem:s5] =	stream.linear.scatter [tilespmem:s19], [sflag:$0x1], $0x2000, $0x38;
	[tilespmem:$0x18900] =	vst v63  }
0x23: {  	_ =	swait.ge [sflag:s20], $0x2000  }
0x24: {  	[sflag:s20] =	ssyncset.done $0x0  }
0x25: {  	[sflag:s20] =	ssyncadd.s32 $0xFFFFE000  }
0x26: {  	[spmem:s8] =	stream.linear.scatter [tilespmem:s19], [sflag:$0x1], $0x2000, $0x38;
	[tilespmem:$0x18900] =	vst v63  }
0x27: {  	_ =	swait.ge [sflag:s20], $0x2000  }
0x28: {  	[sflag:s20] =	ssyncset.done $0x0  }
0x29: {  	[sflag:s20] =	ssyncadd.s32 $0xFFFFE000  }
0x2a: {  	[spmem:s9] =	stream.linear.scatter [tilespmem:s19], [sflag:$0x1], $0x2000, $0x38;
	[tilespmem:$0x18900] =	vst v63  }
0x2b: {  	_ =	swait.ge [sflag:s20], $0x2000  }
0x2c: {  	[sflag:s20] =	ssyncset.done $0x0  }
0x2d: {  	[sflag:s20] =	ssyncadd.s32 $0xFFFFE000  }
0x2e: {  	[spmem:s10] =	stream.linear.scatter [tilespmem:s19], [sflag:$0x1], $0x2000, $0x38;
	[tilespmem:$0x18900] =	vst v63  }
0x2f: {  	_ =	swait.ge [sflag:s20], $0x2000  }
0x30: {  	[sflag:s20] =	ssyncset.done $0x0  }
0x31: {  	[sflag:s20] =	ssyncadd.s32 $0xFFFFE000  }
0x32: {  	[spmem:s11] =	stream.linear.scatter [tilespmem:s19], [sflag:$0x1], $0x2000, $0x38;
	[tilespmem:$0x18900] =	vst v63  }
0x33: {  	_ =	swait.ge [sflag:s20], $0x2000  }
0x34: {  	[sflag:s20] =	ssyncset.done $0x0  }
0x35: {  	[sflag:s20] =	ssyncadd.s32 $0xFFFFE000  }
0x36: {  	[spmem:s12] =	stream.linear.scatter [tilespmem:s19], [sflag:$0x1], $0x2000, $0x38;
	[tilespmem:$0x18900] =	vst v63  }
0x37: {  	_ =	swait.ge [sflag:s20], $0x2000  }
0x38: {  	[sflag:s20] =	ssyncset.done $0x0  }
0x39: {  	[sflag:s20] =	ssyncadd.s32 $0xFFFFE000  }
0x3a: {  	[spmem:s13] =	stream.linear.scatter [tilespmem:s19], [sflag:$0x1], $0x2000, $0x38;
	[tilespmem:$0x18900] =	vst v63  }
0x3b: {  	_ =	swait.ge [sflag:s20], $0x2000  }
0x3c: {  	[sflag:s20] =	ssyncset.done $0x0  }
0x3d: {  	[sflag:s20] =	ssyncadd.s32 $0xFFFFE000  }
0x3e: {  	[spmem:s14] =	stream.linear.scatter [tilespmem:s19], [sflag:$0x1], $0x2000, $0x38;
	[tilespmem:$0x18900] =	vst v63  }
0x3f: {  	_ =	swait.ge [sflag:s20], $0x2000  }
0x40: {  	[sflag:s20] =	ssyncset.done $0x0  }
0x41: {  	[sflag:s20] =	ssyncadd.s32 $0xFFFFE000  }
0x42: {  	[spmem:s15] =	stream.linear.scatter [tilespmem:s19], [sflag:$0x1], $0x2000, $0x38;
	[tilespmem:$0x18900] =	vst v63  }
0x43: {  	_ =	swait.ge [sflag:s20], $0x2000  }
0x44: {  	[sflag:s20] =	ssyncset.done $0x0  }
0x45: {  	[sflag:s20] =	ssyncadd.s32 $0xFFFFE000  }
0x46: {  	[spmem:s16] =	stream.linear.scatter [tilespmem:s19], [sflag:$0x1], $0x2000, $0x38;
	[tilespmem:$0x18900] =	vst v63  }
0x47: {  	_ =	swait.ge [sflag:s20], $0x2000  }
0x48: {  	[sflag:s20] =	ssyncset.done $0x0  }
0x49: {  	[sflag:s20] =	ssyncadd.s32 $0xFFFFE000  }
0x4a: {  	s30 =	sadd.s32 $0x0, s18;
	[bflag:$0x0] =	sbarrier.arrive $0xFFFF  }
0x4b: {  	[tilespmem:s3], [sflag:$0x1] =	stream.linear.gather [hbm4b:s30+s3], $0x50, $0x38;
	[tilespmem:$0x18900] =	vst v63  }
0x4c: {  	_ =	swait.ge [sflag:s20], $0x50  }
0x4d: {  	[sflag:s20] =	ssyncset.done $0x0  }
0x4e: {  	s31 =	sadd.s32 $0x0, s17;
	[sflag:s20] =	ssyncadd.s32 $0xFFFFFFB0  }
0x4f: {  	[tilespmem:s21], [sflag:$0x1] =	stream.linear.gather [hbm4b:s31+s3], $0x50, $0x38;
	[tilespmem:$0x18900] =	vst v63  }
0x50: {  	_ =	swait.ge [sflag:s20], $0x50  }
0x51: {  	[sflag:s20] =	ssyncset.done $0x0  }
0x52: {  	[sflag:s20] =	ssyncadd.s32 $0xFFFFFFB0  }
0x53: {  	[tilespmem:s23], [sflag:$0x1] =	stream.indirect.gather [hbm4b:s4+s22], $0x80, s3, s22, $0xb8;
	[tilespmem:$0x18900] =	vst v63  }
0x54: {  	_ =	swait.ge [sflag:s20], $0x2800  }
0x55: {  	[sflag:s20] =	ssyncset.done $0x0  }
0x56: {  	[sflag:s20] =	ssyncadd.s32 $0xFFFFD800  }
0x57: {  	[spmem:s2] =	stream.indirect.scatter.add.f32 [tilespmem:s23], [sflag:$0x1], $0x80, s21, s22, $0xb8;
	[tilespmem:$0x18900] =	vst v63  }
0x58: {  	_ =	swait.ge [sflag:s20], $0x2800  }
0x59: {  	s25 =	simm.s32 $0xA;
	s26 =	simm.s32 $0x14;
	[sflag:s20] =	ssyncset.done $0x0  }
.LBB2_4:
0x5a: {  	s28 =	sadd.s32 s25, s18  }
0x5b: {  	[sflag:s20] =	ssyncadd.s32 $0xFFFFD800;
	s29 =	smov.u32 s26;
	s30 =	sadd.s32 $0xA, s26  }
0x5c: {  	[tilespmem:s3], [sflag:$0x1] =	stream.linear.gather [hbm4b:s28+s3], $0x50, $0x38;
	[tilespmem:$0x18900] =	vst v63  }
0x5d: {  	p0 =	sne.s32 s26, $0x4D8;
	_ =	swait.ge [sflag:s20], $0x50  }
0x5e: {  	[sflag:s20] =	ssyncset.done $0x0  }
0x5f: {  	s26 =	sadd.s32 s25, s17;
	s25 =	smov.u32 s29;
	[sflag:s20] =	ssyncadd.s32 $0xFFFFFFB0  }
0x60: {  	[tilespmem:s21], [sflag:$0x1] =	stream.linear.gather [hbm4b:s26+s3], $0x50, $0x38;
	[tilespmem:$0x18900] =	vst v63  }
0x61: {  	_ =	swait.ge [sflag:s20], $0x50  }
0x62: {  	[sflag:s20] =	ssyncset.done $0x0  }
0x63: {  	[sflag:s20] =	ssyncadd.s32 $0xFFFFFFB0  }
0x64: {  	[tilespmem:s23], [sflag:$0x1] =	stream.indirect.gather [hbm4b:s4+s22], $0x80, s3, s22, $0xb8;
	[tilespmem:$0x18900] =	vst v63  }
0x65: {  	_ =	swait.ge [sflag:s20], $0x2800  }
.Ltmp1:
0x66: {  	[sflag:s20] =	ssyncset.done $0x0;
	(pc) =	sbr.rel @p0 .LBB2_4-.Ltmp1, $4  }
0x67: {  	[sflag:s20] =	ssyncadd.s32 $0xFFFFD800  }
0x68: {  	[spmem:s2] =	stream.indirect.scatter.add.f32 [tilespmem:s23], [sflag:$0x1], $0x80, s21, s22, $0xb8;
	[tilespmem:$0x18900] =	vst v63  }
0x69: {  	_ =	swait.ge [sflag:s20], $0x2800  }
0x6a: {  	s26 =	smov.u32 s30;
	[sflag:s20] =	ssyncset.done $0x0  }
0x6b: {  	s26 =	sadd.s32 s25, s18;
	[sflag:s20] =	ssyncadd.s32 $0xFFFFD800  }
0x6c: {  	[tilespmem:s3], [sflag:$0x1] =	stream.linear.gather [hbm4b:s26+s3], $0x50, $0x38;
	[tilespmem:$0x18900] =	vst v63  }
0x6d: {  	_ =	swait.ge [sflag:s20], $0x50  }
0x6e: {  	[sflag:s20] =	ssyncset.done $0x0  }
0x6f: {  	s29 =	sadd.s32 s25, s17;
	[sflag:s20] =	ssyncadd.s32 $0xFFFFFFB0  }
0x70: {  	[tilespmem:s21], [sflag:$0x1] =	stream.linear.gather [hbm4b:s29+s3], $0x50, $0x38;
	[tilespmem:$0x18900] =	vst v63  }
0x71: {  	_ =	swait.ge [sflag:s20], $0x50  }
0x72: {  	[sflag:s20] =	ssyncset.done $0x0  }
0x73: {  	[sflag:s20] =	ssyncadd.s32 $0xFFFFFFB0  }
0x74: {  	[tilespmem:s23], [sflag:$0x1] =	stream.indirect.gather [hbm4b:s4+s22], $0x80, s3, s22, $0xb8;
	[tilespmem:$0x18900] =	vst v63  }
0x75: {  	_ =	swait.ge [sflag:s20], $0x2800  }
0x76: {  	[sflag:s20] =	ssyncset.done $0x0  }
0x77: {  	[sflag:s20] =	ssyncadd.s32 $0xFFFFD800  }
0x78: {  	[spmem:s2] =	stream.indirect.scatter.add.f32 [tilespmem:s23], [sflag:$0x1], $0x80, s21, s22, $0xb8;
	[tilespmem:$0x18900] =	vst v63  }
0x79: {  	_ =	swait.ge [sflag:s20], $0x2800  }
0x7a: {  	s30 =	sshll.u32 s0, $0x6;
	s24 =	sadd.s32 $0x1, s24;
	[sflag:s20] =	ssyncset.done $0x0  }
0x7b: {  	s31 =	sshrl.u32 s5, $0x3;
	p0 =	sne.s32 s24, s7;
	[sflag:s20] =	ssyncadd.s32 $0xFFFFD800  }
.Ltmp2:
0x7c: {  	s25 =	sor.u32 $0x1C01, s30;
	[bflag:$0x0] =	sbarrier.arrive $0xFFFF;
	(pc) =	sbr.rel @p0 .LBB2_1-.Ltmp2, $4  }
0x7d: {  	[hbm:s6], [sflag:s25] =	dma.local [spmem:s31], $0x2800  }
0x7e: {  	_ =	swait.ge [sflag:s20], $0x2800  }
0x7f: {  	[sflag:s20] =	ssyncset.done $0x0  }
0x80: {  	[sflag:s20] =	ssyncadd.s32 $0xFFFFD800  }
0x81: {  	_ =	sfence.sel $0x180000  }
0x82: {  	[bflag:$0x0] =	sbarrier.arrive $0xFFFF  }
0x83: {  	p0 =	sne.s32 s0, $0x0;
	_ =	strace $0x9000004D  }
0x84: {  	s0 =	sadd.s32 @!p0 $0x100000, s1;
	[bflag:$0x2] =	sbarrier.arrive $0xFFFF  }
0x85: {  	[sflag:s0] =	ssyncadd.tile.s32 @!p0 $0x1;
	_ =	shalt  }
.Lfunc_end2:
_tile_overlayer_lowered:
.L_overlay_start_2:
0x86: {  	(tag) =	ssettag $0x2  }
0x87: {  	s0 =	rddreg [dreg:$0x0];
	s2 =	stileid.u32  }
0x88: {  	s1 =	rddreg [dreg:$0x1];
	p0 =	sne.s32 s2, $0x0  }
0x89: {  	s3 =	rddreg [dreg:$0x2];
	[bflag:$0x3] =	sbarrier.arrive $0xFFFF;
	s2 =	simm.s32 @!p0 $0x1C01  }
0x8a: {  	[timem:s3], [sflag:s2] =	dma.local @!p0 [hbm:s0], s1  }
0x8b: {  	s0 =	simm.s32 @!p0 $0x1  }
0x8c: {  	_ =	swait.ge @!p0 [sflag:s0], s1  }
0x8d: {  	s1 =	ssub.s32 @!p0 $0x0, s1;
	[sflag:s0] =	ssyncset.done @!p0 $0x0  }
0x8e: {  	[sflag:s0] =	ssyncadd.s32 @!p0 s1  }
0x8f: {  	[bflag:$0x3] =	sbarrier.arrive $0xFFFF  }
0x90: {  	_ =	shalt  }

// kernel: kernel.8.cloned.1.call-start
scs
__scs_entry_jumppad:
0x0: {  	(pc) =	sbr.rel $0x88, $3  }
0x1: {  	(tag) =	ssettag $0x0;
	lr =	simm.s32 $0x1  }
0x2: {  	[smem:$0x3F96] =	sst lr;
	_ =	strace $0xD0000000  }
0x3: {  	_ = 	snop  }
0x4: {  	_ = 	snop  }
0x5: {  	_ = 	snop  }
0x6: {  	_ = 	snop  }
0x7: {  	_ = 	snop  }
__scs_overlays_trampoline_lowered:
0x8: {  	[smem:$0x3FA5] =	sst s0  }
0x9: {  	[smem:$0x3FA6] =	sst s1  }
0xa: {  	[smem:$0x3FA7] =	sst s2  }
0xb: {  	[smem:$0x3FA8] =	sst s3  }
0xc: {  	[smem:$0x3FA9] =	sst s4  }
0xd: {  	[smem:$0x3FAA] =	sst s5  }
0xe: {  	[smem:$0x3FAB] =	sst s6  }
0xf: {  	[smem:$0x3FAC] =	sst s7  }
0x10: {  	[smem:$0x3FAD] =	sst s8  }
0x11: {  	[smem:$0x3FAE] =	sst s9;
	s0 =	simm.s32 @!p0 $0x0  }
0x12: {  	s1 =	sld [smem:$0x3F94];
	s0 =	simm.s32 @p0 $0x1  }
0x13: {  	[smem:$0x3FAF] =	sst s0;
	s0 =	simm.s32 @!p1 $0x0  }
0x14: {  	s2 =	sld [smem:$0x3F93];
	s0 =	simm.s32 @p1 $0x1  }
0x15: {  	[smem:$0x3FB0] =	sst s0;
	s0 =	simm.s32 @!p2 $0x0  }
0x16: {  	s3 =	sld [smem:$0x3FDB];
	s0 =	simm.s32 @p2 $0x1  }
0x17: {  	s4 =	simm.s32 $0x1BF5;
	[smem:$0x3FB2] =	sst s0  }
0x18: {  	s0 =	sld [smem:$0x3F95];
	_ =	swait.ge [sflag:s4], $0x0  }
0x19: {  	s7 =	sld [smem:$0x3F96]  }
0x1a: {  	s8 =	sadd.s32 $0xFFFFE003, lr  }
0x1b: {  	s9 =	sadd.s32 $0xFFFFFEF7, lr;
	s5 =	simm.s32 $0xFFFFFFFF;
	p2 =	slt.u32 s8, $0xFFFFF086  }
0x1c: {  	p1 =	slt.u32 s9, $0xF7A;
	s5 =	simm.s32 @!p2 $0x0  }
0x1d: {  	s5 =	simm.s32 @p1 $0x1;
	p0 =	seq.s32 s7, s2  }
0x1e: {  	s7 =	smul.u32 @!p0 $0xF7A, s2;
	p2 =	seq.s32 @!p0 s5, $0x0  }
0x1f: {  	s9 =	smul.u32 $0xF7A, s1;
	s8 =	simm.s32 @!p0 $0x1BF5;
	p2 =	por !p2, p0  }
0x20: {  	[sflag:s8] =	ssyncset.s32 @!p0 $0xFFFFF086;
	s6 =	sadd.s32 @!p0 s3, s7;
	s7 =	simm.s32 @!p0 $0x108  }
0x21: {  	s3 =	sadd.s32 s3, s9;
	s6 =	sadd.s32 @!p0 $0x88, s6;
	s7 =	simm.s32 @p2 $0x1082  }
0x22: {  	[simem:s7], [sflag:s8] =	dma.local @!p0 [hbm:s6], $0xF7A  }
0x23: {  	s9 =	sor.u32 $0xD0000000, s2;
	s6 =	simm.s32 $0x108;
	_ =	swait.ge @!p0 [sflag:s8], $0x0  }
0x24: {  	s3 =	sadd.s32 $0x88, s3;
	s6 =	simm.s32 @!p1 $0x1082;
	[sflag:s4] =	ssyncset.s32 $0xFFFFF086  }
0x25: {  	[simem:s6], [sflag:s4] =	dma.local [hbm:s3], $0xF7A  }
0x26: {  	[smem:$0x3F96] =	sst s1;
	(tag) =	ssettag s2;
	_ =	strace s9  }
0x27: {  	s1 =	sld [smem:$0x3FA6]  }
0x28: {  	s2 =	sld [smem:$0x3FA7]  }
0x29: {  	s4 =	sld [smem:$0x3FA9]  }
0x2a: {  	p0 =	seq.s32 s5, $0x0;
	s5 =	sld [smem:$0x3FAA]  }
0x2b: {  	s6 =	sld [smem:$0x3FAB]  }
0x2c: {  	s7 =	sld [smem:$0x3FAC]  }
0x2d: {  	s3 =	simm.s32 $0x108;
	s8 =	sld [smem:$0x3FAD]  }
0x2e: {  	s3 =	simm.s32 @!p0 $0x1082;
	s9 =	sld [smem:$0x3FAE]  }
0x2f: {  	lr =	sadd.s32 s0, s3;
	s0 =	sld [smem:$0x3FA5]  }
0x30: {  	s3 =	sld [smem:$0x3FA8]  }
0x31: {  	[smem:$0x3FB1] =	sst s10  }
0x32: {  	s10 =	sld [smem:$0x3FAF];
	_ =	sdelay $0x3  }
0x33: {  	p0 =	seq.s32 s10, $0x1;
	s10 =	sld [smem:$0x3FB1];
	_ =	sdelay $0x3  }
0x34: {  	[smem:$0x3FB1] =	sst s10  }
0x35: {  	s10 =	sld [smem:$0x3FB0];
	_ =	sdelay $0x3  }
0x36: {  	p1 =	seq.s32 s10, $0x1;
	s10 =	sld [smem:$0x3FB1];
	_ =	sdelay $0x3  }
0x37: {  	[smem:$0x3FB1] =	sst s10  }
0x38: {  	s10 =	sld [smem:$0x3FB2]  }
0x39: {  	_ = 	snop;
	(pc) =	sbr.ind lr, $3  }
0x3a: {  	_ = 	snop  }
0x3b: {  	_ = 	snop  }
0x3c: {  	p2 =	seq.s32 s10, $0x1;
	s10 =	sld [smem:$0x3FB1]  }
0x3d: {  	_ =	shalt  }
0x3e: {  	_ =	shalt  }
0x3f: {  	_ =	shalt  }
0x40: {  	_ =	shalt  }
0x41: {  	_ =	shalt  }
0x42: {  	_ =	shalt  }
0x43: {  	_ =	shalt  }
0x44: {  	_ =	shalt  }
0x45: {  	_ =	shalt  }
0x46: {  	_ =	shalt  }
0x47: {  	_ =	shalt  }
0x48: {  	_ =	shalt  }
0x49: {  	_ =	shalt  }
0x4a: {  	_ =	shalt  }
0x4b: {  	_ =	shalt  }
0x4c: {  	_ =	shalt  }
0x4d: {  	_ =	shalt  }
0x4e: {  	_ =	shalt  }
0x4f: {  	_ =	shalt  }
0x50: {  	_ =	shalt  }
0x51: {  	_ =	shalt  }
0x52: {  	_ =	shalt  }
0x53: {  	_ =	shalt  }
0x54: {  	_ =	shalt  }
0x55: {  	_ =	shalt  }
0x56: {  	_ =	shalt  }
0x57: {  	_ =	shalt  }
0x58: {  	_ =	shalt  }
0x59: {  	_ =	shalt  }
0x5a: {  	_ =	shalt  }
0x5b: {  	_ =	shalt  }
0x5c: {  	_ =	shalt  }
0x5d: {  	_ =	shalt  }
0x5e: {  	_ =	shalt  }
0x5f: {  	_ =	shalt  }
0x60: {  	_ =	shalt  }
0x61: {  	_ =	shalt  }
0x62: {  	_ =	shalt  }
0x63: {  	_ =	shalt  }
0x64: {  	_ =	shalt  }
0x65: {  	_ =	shalt  }
0x66: {  	_ =	shalt  }
0x67: {  	_ =	shalt  }
0x68: {  	_ =	shalt  }
0x69: {  	_ =	shalt  }
0x6a: {  	_ =	shalt  }
0x6b: {  	_ =	shalt  }
0x6c: {  	_ =	shalt  }
0x6d: {  	_ =	shalt  }
0x6e: {  	_ =	shalt  }
0x6f: {  	_ =	shalt  }
0x70: {  	_ =	shalt  }
0x71: {  	_ =	shalt  }
0x72: {  	_ =	shalt  }
0x73: {  	_ =	shalt  }
0x74: {  	_ =	shalt  }
0x75: {  	_ =	shalt  }
0x76: {  	_ =	shalt  }
0x77: {  	_ =	shalt  }
0x78: {  	_ =	shalt  }
0x79: {  	_ =	shalt  }
0x7a: {  	_ =	shalt  }
0x7b: {  	_ =	shalt  }
0x7c: {  	_ =	shalt  }
0x7d: {  	_ =	shalt  }
0x7e: {  	_ =	shalt  }
0x7f: {  	_ =	shalt  }
0x80: {  	_ =	shalt  }
0x81: {  	_ =	shalt  }
0x82: {  	_ =	shalt  }
0x83: {  	_ =	shalt  }
0x84: {  	_ =	shalt  }
0x85: {  	_ =	shalt  }
0x86: {  	_ =	shalt  }
0x87: {  	_ =	shalt  }
.Lfunc_end0:
.L_simem_size_0:
called_computation_lowered:
.L_overlay_start_0:
0x88: {  	s2 =	sld [smem:$0x3FD9]  }
0x89: {  	s3 =	sld [smem:$0x3FFE];
	_ =	sdelay $0x1  }
0x8a: {  	s1 =	srdreg.scid  }
0x8b: {  	s0 =	sand.u32 $0x1, s1  }
0x8c: {  	s17 =	sshll.u32 s0, $0xA;
	s2 =	sadd.s32 s3, s2  }
0x8d: {  	s2 =	sadd.s32 s2, s17  }
0x8e: {  	[smem:$0x3FBD] =	sst s2  }
0x8f: {  	_ = 	snop  }
0x90: {  	s2 =	sld [smem:$0x3FC9]  }
0x91: {  	s18 =	sld [smem:$0x3FD0];
	(tm) =	ssettm $0x1  }
0x92: {  	s4 =	sld [smem:$0x3FFB];
	_ =	sdelay $0x3  }
0x93: {  	_ =	strace s4  }
0x94: {  	s4 =	sld [smem:$0x3FFC];
	_ =	sdelay $0x3  }
0x95: {  	_ =	strace s4  }
0x96: {  	s4 =	sld [smem:$0x3FFD];
	_ =	sdelay $0x3  }
0x97: {  	_ =	strace s4  }
0x98: {  	_ =	strace $0x8FFFFFFF  }
0x99: {  	s19 =	sld [smem:$0x3FDB];
	_ =	sdelay $0x1  }
0x9a: {  	s5 =	simm.s32 $_scs_section_size  }
0x9b: {  	s6 =	simm.s32 $_size__tile_overlayer_lowered;
	s7 =	simm.s32 $_tile_overlayer_lowered  }
0x9c: {  	s22 =	simm.s32 $0x1BFF;
	s21 =	sshll.u32 s7, $0x1;
	s4 =	sadd.s32 s5, s19  }
0x9d: {  	s8 =	simm.s32 $0x0;
	s20 =	sshll.u32 s6, $0x1;
	s6 =	sadd.s32 s21, s4  }
0x9e: {  	[timem:s8], [sflag:s22] =	dma.local [hbm:s6], s20  }
0x9f: {  	_ =	swait.ge [sflag:s22], s20  }
0xa0: {  	s5 =	ssub.s32 $0x0, s20;
	[sflag:s22] =	ssyncset.done $0x0  }
0xa1: {  	[sflag:s22] =	ssyncadd.s32 s5;
	_ =	sdelay $0x1  }
0xa2: {  	s23 =	simm.s32 $0x1B8B  }
0xa3: {  	_ =	swait.ge [sflag:s23], $0x1  }
0xa4: {  	[sflag:s23] =	ssyncset.done $0x0  }
0xa5: {  	s25 =	simm.s32 $0x1B8E;
	s24 =	sld [smem:$0x3FFE];
	[sflag:s23] =	ssyncadd.s32 $0xFFFFFFFF  }
0xa6: {  	s26 =	simm.s32 $execute0_lowered;
	[smem:$0x3FD2] =	sst s25  }
0xa7: {  	s6 =	sshll.u32 s26, $0x1;
	_ =	strace $0x80000046;
	[dreg:$0x1] =	wrdreg $0xFFFFFFFF  }
0xa8: {  	s28 =	simm.s32 $_size_execute0_lowered;
	s4 =	sadd.s32 s4, s6;
	[dreg:$0x0] =	wrdreg $0x0  }
0xa9: {  	s6 =	sshll.u32 s28, $0x1;
	[dreg:$0x2] =	wrdreg s4  }
0xaa: {  	[dreg:$0x3] =	wrdreg s6  }
0xab: {  	[dreg:$0x4] =	wrdreg $0xC0  }
0xac: {  	_ =	task [dreg:s8], $0x5FFFF  }
0xad: {  	[dreg:$0x1] =	wrdreg $0xFFFFFFFF  }
0xae: {  	[dreg:$0x0] =	wrdreg $0x60  }
0xaf: {  	[dreg:$0x2] =	wrdreg s2  }
0xb0: {  	[dreg:$0x3] =	wrdreg s24  }
0xb1: {  	[dreg:$0x4] =	wrdreg s18  }
0xb2: {  	[dreg:$0x5] =	wrdreg $0x49000  }
0xb3: {  	[dreg:$0x6] =	wrdreg $0x18C000  }
0xb4: {  	[dreg:$0x7] =	wrdreg $0x9  }
0xb5: {  	_ =	task.clear_ibuf [dreg:s8], $0x8FFFF;
	_ =	strace $0x90000046  }
0xb6: {  	s29 =	simm.s32 $0x9;
	_ =	strace $0x80000048  }
0xb7: {  	_ =	swait.ge [sflag:s29], $0x1  }
0xb8: {  	[sflag:s29] =	ssyncadd.s32 $0xFFFFFFFF  }
0xb9: {  	_ =	strace $0x90000048  }
0xba: {  	_ =	sfence  }
0xbb: {  	s30 =	sld [smem:$0x0];
	_ =	sdelay $0x2  }
0xbc: {  	s31 =	sshll.u32 s1, $0xD;
	s1 =	sshrl.u32 s1, $0x2  }
0xbd: {  	s3 =	sand.u32 $0x4000, s31;
	s1 =	sadd.s32 s1, s30  }
0xbe: {  	s0 =	sor.u32 s3, s0;
	s1 =	sshll.u32 s1, $0x11  }
0xbf: {  	s0 =	sor.u32 s1, s0  }
0xc0: {  	s0 =	sadd.s32 $0x8F2B, s0  }
0xc1: {  	[sflag:s0] =	ssyncadd.remote.s32 $0x1  }
0xc2: {  	_ =	sfence.sel $0xFFFF  }
0xc3: {  	[dreg:$0x0] =	wrdreg $0xFFFFFFFF;
	(pc) =	sbr.abs _section_cstart, $3  }
0xc4: {  	[dreg:$0x1] =	wrdreg $0xFFFFFFFF  }
0xc5: {  	_ =	task.clear_ibuf [dreg:s8], $0x2FFFF;
	_ =	strace $0x9FFFFFFF  }
0xc6: {  	(tm) =	ssettm $0x7FFFFFFF  }
0xc7: {  	_ =	shalt  }
tec
execute0_lowered:
.L_overlay_start_1:
0x0: {  	(tag) =	ssettag $0x1  }
0x1: {  	s1 =	rddreg [dreg:$0x0]  }
0x2: {  	s0 =	rddreg [dreg:$0x1]  }
0x3: {  	s2 =	rddreg [dreg:$0x2];
	s11 =	stileid.u32  }
0x4: {  	s4 =	srdreg.scid;
	s7 =	smul.u32 $0x4E20, s11  }
0x5: {  	s3 =	rddreg [dreg:$0x3];
	s5 =	simm.s32 $0x0;
	s23 =	smul.u32 $0x14000, s11  }
0x6: {  	s22 =	simm.s32 $0x2900;
	s28 =	simm.s32 $0x100;
	s24 =	smul.u32 $0x500, s11  }
0x7: {  	s6 =	sand.u32 $0x1, s4;
	s4 =	rddreg [dreg:$0x4];
	s25 =	smul.u32 $0x50000, s11  }
0x8: {  	s29 =	simm.s32 $0x18900;
	[smem:$0x7FF] =	sst s5;
	s8 =	smul.u32 $0x2710, s6  }
0x9: {  	s9 =	smul.u32 $0x140000, s6;
	s10 =	sshll.u32 s6, $0x7;
	s6 =	ssub.s32 $0x2, s6  }
0xa: {  	s26 =	smul.u32 $0xA00, s11;
	_ =	strace $0x80000047;
	s30 =	sshrl.u32 s6, $0x1  }
0xb: {  	s7 =	sadd.s32 s8, s7;
	s8 =	sadd.s32 s23, s9;
	s9 =	sshrl.u32 s25, $0x2  }
0xc: {  	s31 =	ssub.s32 s6, s30;
	s23 =	simm.s32 $0x1;
	s25 =	simm.s32 $0x80  }
0xd: {  	s20 =	sshrl.u32 s7, $0x3;
	s7 =	sor.u32 s10, s24;
	s8 =	sshrl.u32 s8, $0x3  }
0xe: {  	s10 =	sshrl.u32 s26, $0x2;
	s6 =	sadd.s32 s9, s3;
	s26 =	simm.s32 $0x50  }
0xf: {  	s21 =	sadd.s32 s20, s0;
	s7 =	sshrl.u32 s7, $0x3;
	s8 =	sadd.s32 s8, s0  }
0x10: {  	s11 =	sadd.s32 $0x2000, s6;
	s12 =	sadd.s32 $0x4000, s6;
	s13 =	sadd.s32 $0x6000, s6  }
0x11: {  	s14 =	sadd.s32 $0x8000, s6;
	s15 =	sadd.s32 $0xA000, s6;
	s16 =	sadd.s32 $0xC000, s6  }
0x12: {  	s17 =	sadd.s32 $0xE000, s6;
	s18 =	sadd.s32 $0x10000, s6;
	s19 =	sadd.s32 $0x12000, s6  }
0x13: {  	s20 =	sadd.s32 s20, s2;
	s2 =	simm.s32 $0x0;
	s0 =	sadd.s32 s7, s0  }
0x14: {  	s7 =	sadd.s32 s10, s4;
	s8 =	sadd.s32 $0xD400, s8;
	s10 =	smax.u32 s31, $0x1  }
0x15: {  	v0 =	vimm.f32 $0.0e+00;
	v1 =	vimm.f32 $1.000000000e+00;
	s21 =	sadd.s32 $0x2C00, s21;
	[dreg:$0x6] =	wrdreg s8;
	s9 =	sadd.s32 $0xCA00, s0  }
.LBB2_1:
0x16: {  	s0 =	simm.s32 $0x0;
	s24 =	simm.s32 $0x200  }
.LBB2_2:
0x17: {  	p0 =	sne.s32 s24, $0x7E00;
	[tilespmem:s0+$0x2970] =	vst v0  }
0x18: {  	[tilespmem:s0+$0x2900] =	vst v0  }
0x19: {  	[tilespmem:s0+$0x2910] =	vst v0  }
.Ltmp0:
0x1a: {  	[tilespmem:s0+$0x2920] =	vst v0;
	(pc) =	sbr.rel @p0 .LBB2_2-.Ltmp0, $4  }
0x1b: {  	[tilespmem:s0+$0x2930] =	vst v0  }
0x1c: {  	[tilespmem:s0+$0x2940] =	vst v0  }
0x1d: {  	[tilespmem:s0+$0x2950] =	vst v0  }
0x1e: {  	[tilespmem:s0+$0x2960] =	vst v0;
	s0 =	sshra.s32 s24, $0x2;
	s24 =	sadd.s32 $0x200, s24  }
0x1f: {  	[tilespmem:s0+$0x2970] =	vst v0  }
0x20: {  	[tilespmem:s0+$0x2900] =	vst v0  }
0x21: {  	[tilespmem:s0+$0x2910] =	vst v0  }
0x22: {  	[tilespmem:s0+$0x2920] =	vst v0  }
0x23: {  	[tilespmem:s0+$0x2930] =	vst v0  }
0x24: {  	[tilespmem:s0+$0x2940] =	vst v0  }
0x25: {  	[tilespmem:s0+$0x2950] =	vst v0  }
0x26: {  	[tilespmem:s0+$0x2960] =	vst v0  }
0x27: {  	[spmem:s6] =	stream.linear.scatter [tilespmem:s22], [sflag:$0x1], $0x2000, $0x38;
	[tilespmem:$0x18E80] =	vst v63  }
0x28: {  	_ =	swait.ge [sflag:s23], $0x2000  }
0x29: {  	[sflag:s23] =	ssyncset.done $0x0  }
0x2a: {  	[sflag:s23] =	ssyncadd.s32 $0xFFFFE000  }
0x2b: {  	[spmem:s11] =	stream.linear.scatter [tilespmem:s22], [sflag:$0x1], $0x2000, $0x38;
	[tilespmem:$0x18E80] =	vst v63  }
0x2c: {  	_ =	swait.ge [sflag:s23], $0x2000  }
0x2d: {  	[sflag:s23] =	ssyncset.done $0x0  }
0x2e: {  	[sflag:s23] =	ssyncadd.s32 $0xFFFFE000  }
0x2f: {  	[spmem:s12] =	stream.linear.scatter [tilespmem:s22], [sflag:$0x1], $0x2000, $0x38;
	[tilespmem:$0x18E80] =	vst v63  }
0x30: {  	_ =	swait.ge [sflag:s23], $0x2000  }
0x31: {  	[sflag:s23] =	ssyncset.done $0x0  }
0x32: {  	[sflag:s23] =	ssyncadd.s32 $0xFFFFE000  }
0x33: {  	[spmem:s13] =	stream.linear.scatter [tilespmem:s22], [sflag:$0x1], $0x2000, $0x38;
	[tilespmem:$0x18E80] =	vst v63  }
0x34: {  	_ =	swait.ge [sflag:s23], $0x2000  }
0x35: {  	[sflag:s23] =	ssyncset.done $0x0  }
0x36: {  	[sflag:s23] =	ssyncadd.s32 $0xFFFFE000  }
0x37: {  	[spmem:s14] =	stream.linear.scatter [tilespmem:s22], [sflag:$0x1], $0x2000, $0x38;
	[tilespmem:$0x18E80] =	vst v63  }
0x38: {  	_ =	swait.ge [sflag:s23], $0x2000  }
0x39: {  	[sflag:s23] =	ssyncset.done $0x0  }
0x3a: {  	[sflag:s23] =	ssyncadd.s32 $0xFFFFE000  }
0x3b: {  	[spmem:s15] =	stream.linear.scatter [tilespmem:s22], [sflag:$0x1], $0x2000, $0x38;
	[tilespmem:$0x18E80] =	vst v63  }
0x3c: {  	_ =	swait.ge [sflag:s23], $0x2000  }
0x3d: {  	[sflag:s23] =	ssyncset.done $0x0  }
0x3e: {  	[sflag:s23] =	ssyncadd.s32 $0xFFFFE000  }
0x3f: {  	[spmem:s16] =	stream.linear.scatter [tilespmem:s22], [sflag:$0x1], $0x2000, $0x38;
	[tilespmem:$0x18E80] =	vst v63  }
0x40: {  	_ =	swait.ge [sflag:s23], $0x2000  }
0x41: {  	[sflag:s23] =	ssyncset.done $0x0  }
0x42: {  	[sflag:s23] =	ssyncadd.s32 $0xFFFFE000  }
0x43: {  	[spmem:s17] =	stream.linear.scatter [tilespmem:s22], [sflag:$0x1], $0x2000, $0x38;
	[tilespmem:$0x18E80] =	vst v63  }
0x44: {  	_ =	swait.ge [sflag:s23], $0x2000  }
0x45: {  	[sflag:s23] =	ssyncset.done $0x0  }
0x46: {  	[sflag:s23] =	ssyncadd.s32 $0xFFFFE000  }
0x47: {  	[spmem:s18] =	stream.linear.scatter [tilespmem:s22], [sflag:$0x1], $0x2000, $0x38;
	[tilespmem:$0x18E80] =	vst v63  }
0x48: {  	_ =	swait.ge [sflag:s23], $0x2000  }
0x49: {  	[sflag:s23] =	ssyncset.done $0x0  }
0x4a: {  	[sflag:s23] =	ssyncadd.s32 $0xFFFFE000  }
0x4b: {  	[spmem:s19] =	stream.linear.scatter [tilespmem:s22], [sflag:$0x1], $0x2000, $0x38;
	[tilespmem:$0x18E80] =	vst v63  }
0x4c: {  	_ =	swait.ge [sflag:s23], $0x2000  }
0x4d: {  	[sflag:s23] =	ssyncset.done $0x0  }
0x4e: {  	[sflag:s23] =	ssyncadd.s32 $0xFFFFE000  }
0x4f: {  	[tilespmem:$0x18900] =	vst v1  }
0x50: {  	[tilespmem:$0x18910] =	vst v1  }
0x51: {  	[tilespmem:$0x18920] =	vst v1  }
0x52: {  	[tilespmem:$0x18930] =	vst v1  }
0x53: {  	[tilespmem:$0x18940] =	vst v1  }
0x54: {  	[tilespmem:$0x18980] =	vst v0  }
0x55: {  	[tilespmem:$0x18990] =	vst v0  }
0x56: {  	[tilespmem:$0x189A0] =	vst v0  }
0x57: {  	[tilespmem:$0x189B0] =	vst v0  }
0x58: {  	[tilespmem:$0x189C0] =	vst v0  }
0x59: {  	[tilespmem:$0x189D0] =	vst v0  }
0x5a: {  	[tilespmem:$0x189E0] =	vst v0  }
0x5b: {  	[tilespmem:$0x189F0] =	vst v0  }
0x5c: {  	[tilespmem:$0x18A00] =	vst v0  }
0x5d: {  	[tilespmem:$0x18A10] =	vst v0  }
0x5e: {  	[tilespmem:$0x18A20] =	vst v0  }
0x5f: {  	[tilespmem:$0x18A30] =	vst v0  }
0x60: {  	[tilespmem:$0x18A40] =	vst v0  }
0x61: {  	[tilespmem:$0x18A50] =	vst v0  }
0x62: {  	[tilespmem:$0x18A60] =	vst v0  }
0x63: {  	[tilespmem:$0x18A70] =	vst v0  }
0x64: {  	[tilespmem:$0x18A80] =	vst v0  }
0x65: {  	[tilespmem:$0x18A90] =	vst v0  }
0x66: {  	[tilespmem:$0x18AA0] =	vst v0  }
0x67: {  	[tilespmem:$0x18AB0] =	vst v0  }
0x68: {  	[tilespmem:$0x18AC0] =	vst v0  }
0x69: {  	[tilespmem:$0x18AD0] =	vst v0  }
0x6a: {  	[tilespmem:$0x18AE0] =	vst v0  }
0x6b: {  	[tilespmem:$0x18AF0] =	vst v0  }
0x6c: {  	[tilespmem:$0x18B00] =	vst v0  }
0x6d: {  	[tilespmem:$0x18B10] =	vst v0  }
0x6e: {  	[tilespmem:$0x18B20] =	vst v0  }
0x6f: {  	[tilespmem:$0x18B30] =	vst v0  }
0x70: {  	[tilespmem:$0x18B40] =	vst v0  }
0x71: {  	[tilespmem:$0x18B50] =	vst v0  }
0x72: {  	[tilespmem:$0x18B60] =	vst v0  }
0x73: {  	[tilespmem:$0x18B70] =	vst v0  }
0x74: {  	[tilespmem:$0x18B80] =	vst v0  }
0x75: {  	[tilespmem:$0x18B90] =	vst v0  }
0x76: {  	[tilespmem:$0x18BA0] =	vst v0  }
0x77: {  	[tilespmem:$0x18BB0] =	vst v0  }
0x78: {  	[tilespmem:$0x18BC0] =	vst v0  }
0x79: {  	[tilespmem:$0x18BD0] =	vst v0  }
0x7a: {  	[tilespmem:$0x18BE0] =	vst v0  }
0x7b: {  	s24 =	simm.s32 $0x18980;
	[tilespmem:$0x18BF0] =	vst v0  }
0x7c: {  	[spmem:s7] =	stream.linear.scatter [tilespmem:s24], [sflag:$0x1], $0x280, $0x38;
	[tilespmem:$0x18E80] =	vst v63  }
0x7d: {  	_ =	swait.ge [sflag:s23], $0x280  }
0x7e: {  	[sflag:s23] =	ssyncset.done $0x0  }
0x7f: {  	[sflag:s23] =	ssyncadd.s32 $0xFFFFFD80  }
0x80: {  	s30 =	sadd.s32 $0x0, s21;
	[bflag:$0x0] =	sbarrier.arrive $0xFFFF  }
0x81: {  	[tilespmem:s5], [sflag:$0x1] =	stream.linear.gather [hbm4b:s30+s5], $0x50, $0x38;
	[tilespmem:$0x18E80] =	vst v63  }
0x82: {  	_ =	swait.ge [sflag:s23], $0x50  }
0x83: {  	[sflag:s23] =	ssyncset.done $0x0  }
0x84: {  	s31 =	sadd.s32 $0x0, s20;
	[sflag:s23] =	ssyncadd.s32 $0xFFFFFFB0  }
0x85: {  	[tilespmem:s25], [sflag:$0x1] =	stream.linear.gather [hbm4b:s31+s5], $0x50, $0x38;
	[tilespmem:$0x18E80] =	vst v63  }
0x86: {  	_ =	swait.ge [sflag:s23], $0x50  }
0x87: {  	[sflag:s23] =	ssyncset.done $0x0  }
0x88: {  	[sflag:s23] =	ssyncadd.s32 $0xFFFFFFB0  }
0x89: {  	[tilespmem:s28], [sflag:$0x1] =	stream.indirect.gather [hbm4b:s1+s26], $0x80, s5, s26, $0xb8;
	[tilespmem:$0x18E80] =	vst v63  }
0x8a: {  	_ =	swait.ge [sflag:s23], $0x2800  }
0x8b: {  	[sflag:s23] =	ssyncset.done $0x0  }
0x8c: {  	[sflag:s23] =	ssyncadd.s32 $0xFFFFD800  }
0x8d: {  	[spmem:s3] =	stream.indirect.scatter.add.f32 [tilespmem:s28], [sflag:$0x1], $0x80, s25, s26, $0xb8;
	[tilespmem:$0x18E80] =	vst v63  }
0x8e: {  	_ =	swait.ge [sflag:s23], $0x2800  }
0x8f: {  	[sflag:s23] =	ssyncset.done $0x0  }
0x90: {  	[sflag:s23] =	ssyncadd.s32 $0xFFFFD800  }
0x91: {  	[spmem:s4] =	stream.indirect.scatter.add.f32 [tilespmem:s29], [sflag:$0x1], $0x1, s25, s26, $0xb8;
	[tilespmem:$0x18E80] =	vst v63  }
0x92: {  	_ =	swait.ge [sflag:s23], $0x50  }
0x93: {  	s0 =	simm.s32 $0xA;
	s24 =	simm.s32 $0x14;
	[sflag:s23] =	ssyncset.done $0x0  }
.LBB2_4:
0x94: {  	s30 =	sadd.s32 s0, s21  }
0x95: {  	[sflag:s23] =	ssyncadd.s32 $0xFFFFFFB0;
	s31 =	smov.u32 s24;
	s8 =	sadd.s32 $0xA, s24  }
0x96: {  	[tilespmem:s5], [sflag:$0x1] =	stream.linear.gather [hbm4b:s30+s5], $0x50, $0x38;
	[tilespmem:$0x18E80] =	vst v63  }
0x97: {  	p0 =	sne.s32 s24, $0x4D8;
	_ =	swait.ge [sflag:s23], $0x50  }
0x98: {  	[sflag:s23] =	ssyncset.done $0x0  }
0x99: {  	s24 =	sadd.s32 s0, s20;
	s0 =	smov.u32 s31;
	[sflag:s23] =	ssyncadd.s32 $0xFFFFFFB0  }
0x9a: {  	[tilespmem:s25], [sflag:$0x1] =	stream.linear.gather [hbm4b:s24+s5], $0x50, $0x38;
	[tilespmem:$0x18E80] =	vst v63  }
0x9b: {  	_ =	swait.ge [sflag:s23], $0x50  }
0x9c: {  	[sflag:s23] =	ssyncset.done $0x0  }
0x9d: {  	[sflag:s23] =	ssyncadd.s32 $0xFFFFFFB0  }
0x9e: {  	[tilespmem:s28], [sflag:$0x1] =	stream.indirect.gather [hbm4b:s1+s26], $0x80, s5, s26, $0xb8;
	[tilespmem:$0x18E80] =	vst v63  }
0x9f: {  	_ =	swait.ge [sflag:s23], $0x2800  }
0xa0: {  	[sflag:s23] =	ssyncset.done $0x0  }
0xa1: {  	[sflag:s23] =	ssyncadd.s32 $0xFFFFD800  }
0xa2: {  	[spmem:s3] =	stream.indirect.scatter.add.f32 [tilespmem:s28], [sflag:$0x1], $0x80, s25, s26, $0xb8;
	[tilespmem:$0x18E80] =	vst v63  }
0xa3: {  	_ =	swait.ge [sflag:s23], $0x2800  }
.Ltmp1:
0xa4: {  	[sflag:s23] =	ssyncset.done $0x0;
	(pc) =	sbr.rel @p0 .LBB2_4-.Ltmp1, $4  }
0xa5: {  	[sflag:s23] =	ssyncadd.s32 $0xFFFFD800  }
0xa6: {  	[spmem:s4] =	stream.indirect.scatter.add.f32 [tilespmem:s29], [sflag:$0x1], $0x1, s25, s26, $0xb8;
	[tilespmem:$0x18E80] =	vst v63  }
0xa7: {  	_ =	swait.ge [sflag:s23], $0x50  }
0xa8: {  	s24 =	smov.u32 s8;
	[sflag:s23] =	ssyncset.done $0x0  }
0xa9: {  	s8 =	sadd.s32 s0, s21;
	[sflag:s23] =	ssyncadd.s32 $0xFFFFFFB0  }
0xaa: {  	[tilespmem:s5], [sflag:$0x1] =	stream.linear.gather [hbm4b:s8+s5], $0x50, $0x38;
	[tilespmem:$0x18E80] =	vst v63  }
0xab: {  	_ =	swait.ge [sflag:s23], $0x50  }
0xac: {  	[sflag:s23] =	ssyncset.done $0x0  }
0xad: {  	s24 =	sadd.s32 s0, s20;
	[sflag:s23] =	ssyncadd.s32 $0xFFFFFFB0  }
0xae: {  	[tilespmem:s25], [sflag:$0x1] =	stream.linear.gather [hbm4b:s24+s5], $0x50, $0x38;
	[tilespmem:$0x18E80] =	vst v63  }
0xaf: {  	_ =	swait.ge [sflag:s23], $0x50  }
0xb0: {  	[sflag:s23] =	ssyncset.done $0x0  }
0xb1: {  	[sflag:s23] =	ssyncadd.s32 $0xFFFFFFB0  }
0xb2: {  	[tilespmem:s28], [sflag:$0x1] =	stream.indirect.gather [hbm4b:s1+s26], $0x80, s5, s26, $0xb8;
	[tilespmem:$0x18E80] =	vst v63  }
0xb3: {  	_ =	swait.ge [sflag:s23], $0x2800  }
0xb4: {  	[sflag:s23] =	ssyncset.done $0x0  }
0xb5: {  	[sflag:s23] =	ssyncadd.s32 $0xFFFFD800  }
0xb6: {  	[spmem:s3] =	stream.indirect.scatter.add.f32 [tilespmem:s28], [sflag:$0x1], $0x80, s25, s26, $0xb8;
	[tilespmem:$0x18E80] =	vst v63  }
0xb7: {  	_ =	swait.ge [sflag:s23], $0x2800  }
0xb8: {  	[sflag:s23] =	ssyncset.done $0x0  }
0xb9: {  	[sflag:s23] =	ssyncadd.s32 $0xFFFFD800  }
0xba: {  	[spmem:s4] =	stream.indirect.scatter.add.f32 [tilespmem:s29], [sflag:$0x1], $0x1, s25, s26, $0xb8;
	[tilespmem:$0x18E80] =	vst v63  }
0xbb: {  	_ =	swait.ge [sflag:s23], $0x50  }
0xbc: {  	[sflag:s23] =	ssyncset.done $0x0  }
0xbd: {  	s30 =	stileid.u32;
	[sflag:s23] =	ssyncadd.s32 $0xFFFFFFB0  }
0xbe: {  	s0 =	sshll.u32 s30, $0x6;
	[bflag:$0x0] =	sbarrier.arrive $0xFFFF  }
0xbf: {  	s31 =	sshrl.u32 s6, $0x3;
	s0 =	sor.u32 $0x1C01, s0;
	s24 =	rddreg [dreg:$0x6]  }
0xc0: {  	[hbm:s24], [sflag:s0] =	dma.local [spmem:s31], $0x2800  }
0xc1: {  	s2 =	sadd.s32 $0x1, s2;
	s30 =	simm.s32 $0x10;
	_ =	swait.ge [sflag:s23], $0x2800  }
0xc2: {  	p0 =	sne.s32 s2, s10;
	s24 =	sshrl.u32 s7, $0x3;
	[sflag:s23] =	ssyncset.done $0x0  }
.Ltmp2:
0xc3: {  	s31 =	simm.s32 $0x20;
	[sflag:s23] =	ssyncadd.s32 $0xFFFFD800;
	(pc) =	sbr.rel @p0 .LBB2_1-.Ltmp2, $4  }
0xc4: {  	[hbm:s9@s31], [sflag:s0] =	dma.strided [spmem:s24@s30], $0x50, s23, $0x10   }
0xc5: {  	_ =	swait.ge [sflag:s23], $0x50  }
0xc6: {  	[sflag:s23] =	ssyncset.done $0x0  }
0xc7: {  	[sflag:s23] =	ssyncadd.s32 $0xFFFFFFB0  }
0xc8: {  	_ =	sfence.sel $0x180000  }
0xc9: {  	[bflag:$0x0] =	sbarrier.arrive $0xFFFF  }
0xca: {  	_ =	strace $0x90000047  }
0xcb: {  	s0 =	stileid.u32;
	[bflag:$0x2] =	sbarrier.arrive $0xFFFF  }
0xcc: {  	p0 =	sne.s32 s0, $0x0;
	s0 =	rddreg [dreg:$0x5]  }
0xcd: {  	s0 =	sadd.s32 @!p0 $0x100000, s0  }
0xce: {  	[sflag:s0] =	ssyncadd.tile.s32 @!p0 $0x1;
	_ =	shalt  }
.Lfunc_end2:
_tile_overlayer_lowered:
.L_overlay_start_2:
0xcf: {  	(tag) =	ssettag $0x2  }
0xd0: {  	s0 =	rddreg [dreg:$0x0];
	s2 =	stileid.u32  }
0xd1: {  	s1 =	rddreg [dreg:$0x1];
	p0 =	sne.s32 s2, $0x0  }
0xd2: {  	s3 =	rddreg [dreg:$0x2];
	[bflag:$0x3] =	sbarrier.arrive $0xFFFF;
	s2 =	simm.s32 @!p0 $0x1C01  }
0xd3: {  	[timem:s3], [sflag:s2] =	dma.local @!p0 [hbm:s0], s1  }
0xd4: {  	s0 =	simm.s32 @!p0 $0x1  }
0xd5: {  	_ =	swait.ge @!p0 [sflag:s0], s1  }
0xd6: {  	s1 =	ssub.s32 @!p0 $0x0, s1;
	[sflag:s0] =	ssyncset.done @!p0 $0x0  }
0xd7: {  	[sflag:s0] =	ssyncadd.s32 @!p0 s1  }
0xd8: {  	[bflag:$0x3] =	sbarrier.arrive $0xFFFF  }
0xd9: {  	_ =	shalt  }

</sc_bundles>
